<compile_context>
chip_gen: v7x
topology: tpu7x:2x2x1
jax: 0.10.2.dev20260603
libtpu: 0.0.44.dev20260713+nightly
codegen_flags: <defaults>
</compile_context>

<pallas_src>
import functools

import jax
import jax.numpy as jnp
from jax import lax
from jax.experimental import pallas as pl
from jax.experimental.pallas import tpu as pltpu
from jax.experimental.pallas import tpu_sc as plsc

_RATIO = 0.75
_LANES = 16


@functools.lru_cache(maxsize=None)
def _make_gather(T, B, C, remain):
    NC, NS = 2, 16
    NW = NC * NS
    R = remain * B
    rows_per_w = R // NW
    chunk = 16
    n_chunks = rows_per_w // chunk
    nbuf = 8
    groups_per_chunk = chunk // _LANES
    b_groups = B // _LANES

    mesh = plsc.VectorSubcoreMesh(core_axis_name="c", subcore_axis_name="s")

    @functools.partial(
        pl.kernel,
        out_type=jax.ShapeDtypeStruct((R, C), jnp.float32),
        mesh=mesh,
        scratch_types=[
            pltpu.VMEM((rows_per_w,), jnp.int32),
            pltpu.VMEM((n_chunks, chunk), jnp.int32),
        ] + [pltpu.VMEM((chunk, C), jnp.float32) for _ in range(nbuf)]
          + [pltpu.SemaphoreType.DMA for _ in range(2 * nbuf)],
    )
    def gather_kernel(table_hbm, fwd_hbm, out_hbm, raw_v, idx_v, *bufsems):
        bufs = bufsems[:nbuf]
        gsems = bufsems[nbuf:2 * nbuf]
        osems = bufsems[2 * nbuf:]
        wid = lax.axis_index("s") * NC + lax.axis_index("c")
        base = wid * rows_per_w
        pltpu.sync_copy(fwd_hbm.at[pl.ds(base, rows_per_w)], raw_v)
        lane = lax.iota(jnp.int32, _LANES)
        for r in range(rows_per_w // _LANES):
            fv = raw_v[pl.ds(r * _LANES, _LANES)]
            bvals = (r % b_groups) * _LANES + lane
            idx_v[r // groups_per_chunk,
                  pl.ds((r % groups_per_chunk) * _LANES, _LANES)] = (
                      fv * B + bvals)
        gcp = [None] * nbuf
        ocp = [None] * nbuf
        for k in range(nbuf):
            gcp[k] = pltpu.async_copy(table_hbm.at[idx_v.at[k]], bufs[k],
                                      gsems[k])
        for k in range(n_chunks):
            slot = k % nbuf
            gcp[slot].wait()
            ocp[slot] = pltpu.async_copy(
                bufs[slot], out_hbm.at[pl.ds(base + k * chunk, chunk)],
                osems[slot])
            nxt = k + nbuf
            if nxt < n_chunks:
                ocp[slot].wait()
                gcp[slot] = pltpu.async_copy(table_hbm.at[idx_v.at[nxt]],
                                             bufs[slot], gsems[slot])
        for k in range(n_chunks - nbuf, n_chunks):
            ocp[k % nbuf].wait()

    return gather_kernel


def kernel(patches, forward_indexes, backward_indexes, dist_params):
    T, B, C = patches.shape
    remain = int(T * (1 - _RATIO))
    table = patches.reshape(T * B, C)
    fwd = forward_indexes.reshape(T * B)
    out = _make_gather(T, B, C, remain)(table, fwd)
    return (out.reshape(remain, B, C), forward_indexes, backward_indexes,
            dist_params)

# --- scband reference (transcript-rebuilt; emitter-appended) ---
"""Pipeline reference for scband-patch-shuffle-from-normal-76862734729677 (READ-ONLY COPY).

The authoritative reference and input builder live on the scoring server;
editing this copy changes nothing except your own understanding.
"""

import jax, jax.numpy as jnp
import numpy as np

GRID_N = 16
RATIO = 0.75
B = 128
C = 768


def _mvn_pdf(pos, mu, cov):
    det = cov[0, 0] * cov[1, 1] - cov[0, 1] * cov[1, 0]
    inv00 = cov[1, 1] / det
    inv01 = -cov[0, 1] / det
    inv11 = cov[0, 0] / det
    d0 = pos[..., 0] - mu[0]
    d1 = pos[..., 1] - mu[1]
    quad = d0 * d0 * inv00 + 2.0 * d0 * d1 * inv01 + d1 * d1 * inv11
    return np.exp(-0.5 * quad) / (2.0 * np.pi * np.sqrt(det))


def _random_indexes_from_normal(grid_n, ratio, pos_grid, rng):
    mu = rng.uniform(0, 1, 2)
    cov = rng.random((2, 2)) * 0.5
    cov = np.dot(cov, cov.T)
    cov[0, 1] = cov[1, 0] = cov[0, 0] * cov[1, 1]
    N_pdf = _mvn_pdf(pos_grid, mu, cov)
    p = np.power(N_pdf.flatten(), 1.0 / 4.0) + 1e-06
    mask_mat = np.zeros((grid_n, grid_n)).flatten()
    rand_idx = rng.choice(np.arange(grid_n ** 2), size=int(ratio * grid_n ** 2), replace=False, p=p / p.sum())
    mask_mat[rand_idx] = 1
    forward_indexes = np.argsort(mask_mat)
    backward_indexes = np.argsort(forward_indexes)
    dist_params = np.hstack([mu, np.delete(cov.flatten(), 2)])
    return forward_indexes, backward_indexes, dist_params


def setup_inputs(seed: int = 0) -> dict:
    key = jax.random.key(seed)
    rng = np.random.default_rng(0)
    T = GRID_N ** 2
    x, y = np.mgrid[0:1:1.0 / GRID_N, 0:1:1.0 / GRID_N]
    pos_grid = np.dstack((x, y))
    patches = jax.random.normal(key, (T, B, C), dtype=jnp.float32)
    idxs = [_random_indexes_from_normal(GRID_N, RATIO, pos_grid, rng) for _ in range(B)]
    forward_indexes = jnp.asarray(np.stack([i[0] for i in idxs], axis=-1), dtype=jnp.int32)
    backward_indexes = jnp.asarray(np.stack([i[1] for i in idxs], axis=-1), dtype=jnp.int32)
    dist_params = jnp.asarray(np.stack([i[2] for i in idxs], axis=-1), dtype=jnp.float32).T
    return {"patches": patches, "forward_indexes": forward_indexes, "backward_indexes": backward_indexes, "dist_params": dist_params}


def reference(patches, forward_indexes, backward_indexes, dist_params):
    T, Bc, Cc = patches.shape
    remain_T = int(T * (1 - RATIO))
    idx = jnp.broadcast_to(forward_indexes[:, :, None], (T, Bc, Cc))
    shuffled = jnp.take_along_axis(patches, idx, axis=0)
    shuffled = shuffled[:remain_T]
    return (shuffled, forward_indexes, backward_indexes, dist_params)

if __name__ == "__main__":
    import jax
    _d = setup_inputs()
    print(jax.jit(kernel)(*tuple(_d.values())))

</pallas_src>

<mosaic_0001>
#map = affine_map<(d0, d1) -> (0, 0)>
#map1 = affine_map<(d0, d1) -> (0)>
module attributes {stable_mosaic.version = 14 : i64} {
  func.func @gather_kernel(%arg0: i32, %arg1: i32, %arg2: memref<32768x768xf32, #tpu.memory_space<hbm>>, %arg3: memref<32768xi32, #tpu.memory_space<hbm>>, %arg4: memref<8192x768xf32, #tpu.memory_space<hbm>>, %arg5: memref<256xi32, #tpu.memory_space<vmem>>, %arg6: memref<16x16xi32, #tpu.memory_space<vmem>>, %arg7: memref<16x768xf32, #tpu.memory_space<vmem>>, %arg8: memref<16x768xf32, #tpu.memory_space<vmem>>, %arg9: memref<16x768xf32, #tpu.memory_space<vmem>>, %arg10: memref<16x768xf32, #tpu.memory_space<vmem>>, %arg11: memref<16x768xf32, #tpu.memory_space<vmem>>, %arg12: memref<16x768xf32, #tpu.memory_space<vmem>>, %arg13: memref<16x768xf32, #tpu.memory_space<vmem>>, %arg14: memref<16x768xf32, #tpu.memory_space<vmem>>, %arg15: memref<!tpu.dma_semaphore, #tpu.memory_space<semaphore_mem>>, %arg16: memref<!tpu.dma_semaphore, #tpu.memory_space<semaphore_mem>>, %arg17: memref<!tpu.dma_semaphore, #tpu.memory_space<semaphore_mem>>, %arg18: memref<!tpu.dma_semaphore, #tpu.memory_space<semaphore_mem>>, %arg19: memref<!tpu.dma_semaphore, #tpu.memory_space<semaphore_mem>>, %arg20: memref<!tpu.dma_semaphore, #tpu.memory_space<semaphore_mem>>, %arg21: memref<!tpu.dma_semaphore, #tpu.memory_space<semaphore_mem>>, %arg22: memref<!tpu.dma_semaphore, #tpu.memory_space<semaphore_mem>>, %arg23: memref<!tpu.dma_semaphore, #tpu.memory_space<semaphore_mem>>, %arg24: memref<!tpu.dma_semaphore, #tpu.memory_space<semaphore_mem>>, %arg25: memref<!tpu.dma_semaphore, #tpu.memory_space<semaphore_mem>>, %arg26: memref<!tpu.dma_semaphore, #tpu.memory_space<semaphore_mem>>, %arg27: memref<!tpu.dma_semaphore, #tpu.memory_space<semaphore_mem>>, %arg28: memref<!tpu.dma_semaphore, #tpu.memory_space<semaphore_mem>>, %arg29: memref<!tpu.dma_semaphore, #tpu.memory_space<semaphore_mem>>, %arg30: memref<!tpu.dma_semaphore, #tpu.memory_space<semaphore_mem>>) attributes {dimension_semantics = [#tpu.dimension_semantics<core_parallel>, #tpu.dimension_semantics<subcore_parallel>], iteration_bounds = array<i64: 2, 16>, scalar_prefetch = 0 : i64, scratch_operands = 26 : i64, tpu.core_type = #tpu.core_type<sc_vector_subcore>, window_params = [{transform_indices = #map}, {transform_indices = #map1}, {transform_indices = #map}]} {
    %mul3A = arith.constant 2 : i32
    %mul3A_0 = arith.muli %arg1, %mul3A : i32
    %add3A = arith.addi %mul3A_0, %arg0 : i32
    %mul3A_1 = arith.constant 256 : i32
    %mul3A_2 = arith.muli %add3A, %mul3A_1 : i32
    "tpu.region"() ({
      %run_scoped3A = tpu.sem_alloc : memref<!tpu.dma_semaphore, #tpu.memory_space<semaphore_mem>>
      %dma_start3A_639 = tpu.memref_slice %arg3[%mul3A_2] : memref<32768xi32, #tpu.memory_space<hbm>> -> memref<256xi32, #tpu.memory_space<hbm>>
      %dma_start3A_640 = tpu.memref_slice %arg3[%mul3A_2] : memref<32768xi32, #tpu.memory_space<hbm>> -> memref<256xi32, #tpu.memory_space<hbm>>
      tpu.enqueue_dma source(%dma_start3A_640 : memref<256xi32, #tpu.memory_space<hbm>>) target(%arg5 : memref<256xi32, #tpu.memory_space<vmem>>) target_semaphore(%run_scoped3A : memref<!tpu.dma_semaphore, #tpu.memory_space<semaphore_mem>>)
      %dma_wait3A_641 = tpu.memref_slice %arg3[%mul3A_2] : memref<32768xi32, #tpu.memory_space<hbm>> -> memref<256xi32, #tpu.memory_space<hbm>>
      %dma_wait3A_642 = tpu.memref_slice %arg3[%mul3A_2] : memref<32768xi32, #tpu.memory_space<hbm>> -> memref<256xi32, #tpu.memory_space<hbm>>
      tpu.wait_dma2 semaphore(%run_scoped3A : memref<!tpu.dma_semaphore, #tpu.memory_space<semaphore_mem>>) src(%dma_wait3A_642 : memref<256xi32, #tpu.memory_space<hbm>>) dst(%arg5 : memref<256xi32, #tpu.memory_space<vmem>>)
      tpu.yield
    }) : () -> ()
    %iota3A = tpu.iota {dimensions = array<i32: 0>} : vector<16xi32>
    %get3A = arith.constant 0 : index
    %get3A_3 = tpu.vector_load %arg5[%get3A] {strides = array<i32>} : memref<256xi32, #tpu.memory_space<vmem>>, vector<16xi32>,
    %get3A_4 = vector.shape_cast %get3A_3 : vector<16xi32> to vector<16xi32>
    %add3A_5 = arith.constant 0 : i32
    %add3A_6 = vector.broadcast %add3A_5 : i32 to vector<16xi32>
    %add3A_7 = arith.addi %add3A_6, %iota3A : vector<16xi32>
    %mul3A_8 = arith.constant 128 : i32
    %mul3A_9 = vector.broadcast %mul3A_8 : i32 to vector<16xi32>
    %mul3A_10 = arith.muli %get3A_4, %mul3A_9 : vector<16xi32>
    %add3A_11 = arith.addi %mul3A_10, %add3A_7 : vector<16xi32>
    %swap3A = arith.constant 0 : i32
    %swap3A_12 = arith.index_cast %swap3A : i32 to index
    %swap3A_13 = arith.constant 0 : index
    %swap3A_14 = tpu.vector_load %arg6[%swap3A_12, %swap3A_13] {strides = array<i32>} : memref<16x16xi32, #tpu.memory_space<vmem>>, vector<1x16xi32>,
    %swap3A_15 = vector.shape_cast %swap3A_14 : vector<1x16xi32> to vector<16xi32>
    %swap3A_16 = vector.shape_cast %add3A_11 : vector<16xi32> to vector<1x16xi32>
    tpu.vector_store %arg6[%swap3A_12, %swap3A_13], %swap3A_16 {strides = array<i32>} : memref<16x16xi32, #tpu.memory_space<vmem>>, vector<1x16xi32>,
    %get3A_17 = arith.constant 16 : index
    %get3A_18 = tpu.vector_load %arg5[%get3A_17] {strides = array<i32>} : memref<256xi32, #tpu.memory_space<vmem>>, vector<16xi32>,
    %get3A_19 = vector.shape_cast %get3A_18 : vector<16xi32> to vector<16xi32>
    %add3A_20 = arith.constant 16 : i32
    %add3A_21 = vector.broadcast %add3A_20 : i32 to vector<16xi32>
    %add3A_22 = arith.addi %add3A_21, %iota3A : vector<16xi32>
    %mul3A_23 = arith.constant 128 : i32
    %mul3A_24 = vector.broadcast %mul3A_23 : i32 to vector<16xi32>
    %mul3A_25 = arith.muli %get3A_19, %mul3A_24 : vector<16xi32>
    %add3A_26 = arith.addi %mul3A_25, %add3A_22 : vector<16xi32>
    %swap3A_27 = arith.constant 1 : i32
    %swap3A_28 = arith.index_cast %swap3A_27 : i32 to index
    %swap3A_29 = arith.constant 0 : index
    %swap3A_30 = tpu.vector_load %arg6[%swap3A_28, %swap3A_29] {strides = array<i32>} : memref<16x16xi32, #tpu.memory_space<vmem>>, vector<1x16xi32>,
    %swap3A_31 = vector.shape_cast %swap3A_30 : vector<1x16xi32> to vector<16xi32>
    %swap3A_32 = vector.shape_cast %add3A_26 : vector<16xi32> to vector<1x16xi32>
    tpu.vector_store %arg6[%swap3A_28, %swap3A_29], %swap3A_32 {strides = array<i32>} : memref<16x16xi32, #tpu.memory_space<vmem>>, vector<1x16xi32>,
    %get3A_33 = arith.constant 32 : index
    %get3A_34 = tpu.vector_load %arg5[%get3A_33] {strides = array<i32>} : memref<256xi32, #tpu.memory_space<vmem>>, vector<16xi32>,
    %get3A_35 = vector.shape_cast %get3A_34 : vector<16xi32> to vector<16xi32>
    %add3A_36 = arith.constant 32 : i32
    %add3A_37 = vector.broadcast %add3A_36 : i32 to vector<16xi32>
    %add3A_38 = arith.addi %add3A_37, %iota3A : vector<16xi32>
    %mul3A_39 = arith.constant 128 : i32
    %mul3A_40 = vector.broadcast %mul3A_39 : i32 to vector<16xi32>
    %mul3A_41 = arith.muli %get3A_35, %mul3A_40 : vector<16xi32>
    %add3A_42 = arith.addi %mul3A_41, %add3A_38 : vector<16xi32>
    %swap3A_43 = arith.constant 2 : i32
    %swap3A_44 = arith.index_cast %swap3A_43 : i32 to index
    %swap3A_45 = arith.constant 0 : index
    %swap3A_46 = tpu.vector_load %arg6[%swap3A_44, %swap3A_45] {strides = array<i32>} : memref<16x16xi32, #tpu.memory_space<vmem>>, vector<1x16xi32>,
    %swap3A_47 = vector.shape_cast %swap3A_46 : vector<1x16xi32> to vector<16xi32>
    %swap3A_48 = vector.shape_cast %add3A_42 : vector<16xi32> to vector<1x16xi32>
    tpu.vector_store %arg6[%swap3A_44, %swap3A_45], %swap3A_48 {strides = array<i32>} : memref<16x16xi32, #tpu.memory_space<vmem>>, vector<1x16xi32>,
    %get3A_49 = arith.constant 48 : index
    %get3A_50 = tpu.vector_load %arg5[%get3A_49] {strides = array<i32>} : memref<256xi32, #tpu.memory_space<vmem>>, vector<16xi32>,
    %get3A_51 = vector.shape_cast %get3A_50 : vector<16xi32> to vector<16xi32>
    %add3A_52 = arith.constant 48 : i32
    %add3A_53 = vector.broadcast %add3A_52 : i32 to vector<16xi32>
    %add3A_54 = arith.addi %add3A_53, %iota3A : vector<16xi32>
    %mul3A_55 = arith.constant 128 : i32
    %mul3A_56 = vector.broadcast %mul3A_55 : i32 to vector<16xi32>
    %mul3A_57 = arith.muli %get3A_51, %mul3A_56 : vector<16xi32>
    %add3A_58 = arith.addi %mul3A_57, %add3A_54 : vector<16xi32>
    %swap3A_59 = arith.constant 3 : i32
    %swap3A_60 = arith.index_cast %swap3A_59 : i32 to index
    %swap3A_61 = arith.constant 0 : index
    %swap3A_62 = tpu.vector_load %arg6[%swap3A_60, %swap3A_61] {strides = array<i32>} : memref<16x16xi32, #tpu.memory_space<vmem>>, vector<1x16xi32>,
    %swap3A_63 = vector.shape_cast %swap3A_62 : vector<1x16xi32> to vector<16xi32>
    %swap3A_64 = vector.shape_cast %add3A_58 : vector<16xi32> to vector<1x16xi32>
    tpu.vector_store %arg6[%swap3A_60, %swap3A_61], %swap3A_64 {strides = array<i32>} : memref<16x16xi32, #tpu.memory_space<vmem>>, vector<1x16xi32>,
    %get3A_65 = arith.constant 64 : index
    %get3A_66 = tpu.vector_load %arg5[%get3A_65] {strides = array<i32>} : memref<256xi32, #tpu.memory_space<vmem>>, vector<16xi32>,
    %get3A_67 = vector.shape_cast %get3A_66 : vector<16xi32> to vector<16xi32>
    %add3A_68 = arith.constant 64 : i32
    %add3A_69 = vector.broadcast %add3A_68 : i32 to vector<16xi32>
    %add3A_70 = arith.addi %add3A_69, %iota3A : vector<16xi32>
    %mul3A_71 = arith.constant 128 : i32
    %mul3A_72 = vector.broadcast %mul3A_71 : i32 to vector<16xi32>
    %mul3A_73 = arith.muli %get3A_67, %mul3A_72 : vector<16xi32>
    %add3A_74 = arith.addi %mul3A_73, %add3A_70 : vector<16xi32>
    %swap3A_75 = arith.constant 4 : i32
    %swap3A_76 = arith.index_cast %swap3A_75 : i32 to index
    %swap3A_77 = arith.constant 0 : index
    %swap3A_78 = tpu.vector_load %arg6[%swap3A_76, %swap3A_77] {strides = array<i32>} : memref<16x16xi32, #tpu.memory_space<vmem>>, vector<1x16xi32>,
    %swap3A_79 = vector.shape_cast %swap3A_78 : vector<1x16xi32> to vector<16xi32>
    %swap3A_80 = vector.shape_cast %add3A_74 : vector<16xi32> to vector<1x16xi32>
    tpu.vector_store %arg6[%swap3A_76, %swap3A_77], %swap3A_80 {strides = array<i32>} : memref<16x16xi32, #tpu.memory_space<vmem>>, vector<1x16xi32>,
    %get3A_81 = arith.constant 80 : index
    %get3A_82 = tpu.vector_load %arg5[%get3A_81] {strides = array<i32>} : memref<256xi32, #tpu.memory_space<vmem>>, vector<16xi32>,
    %get3A_83 = vector.shape_cast %get3A_82 : vector<16xi32> to vector<16xi32>
    %add3A_84 = arith.constant 80 : i32
    %add3A_85 = vector.broadcast %add3A_84 : i32 to vector<16xi32>
    %add3A_86 = arith.addi %add3A_85, %iota3A : vector<16xi32>
    %mul3A_87 = arith.constant 128 : i32
    %mul3A_88 = vector.broadcast %mul3A_87 : i32 to vector<16xi32>
    %mul3A_89 = arith.muli %get3A_83, %mul3A_88 : vector<16xi32>
    %add3A_90 = arith.addi %mul3A_89, %add3A_86 : vector<16xi32>
    %swap3A_91 = arith.constant 5 : i32
    %swap3A_92 = arith.index_cast %swap3A_91 : i32 to index
    %swap3A_93 = arith.constant 0 : index
    %swap3A_94 = tpu.vector_load %arg6[%swap3A_92, %swap3A_93] {strides = array<i32>} : memref<16x16xi32, #tpu.memory_space<vmem>>, vector<1x16xi32>,
    %swap3A_95 = vector.shape_cast %swap3A_94 : vector<1x16xi32> to vector<16xi32>
    %swap3A_96 = vector.shape_cast %add3A_90 : vector<16xi32> to vector<1x16xi32>
    tpu.vector_store %arg6[%swap3A_92, %swap3A_93], %swap3A_96 {strides = array<i32>} : memref<16x16xi32, #tpu.memory_space<vmem>>, vector<1x16xi32>,
    %get3A_97 = arith.constant 96 : index
    %get3A_98 = tpu.vector_load %arg5[%get3A_97] {strides = array<i32>} : memref<256xi32, #tpu.memory_space<vmem>>, vector<16xi32>,
    %get3A_99 = vector.shape_cast %get3A_98 : vector<16xi32> to vector<16xi32>
    %add3A_100 = arith.constant 96 : i32
    %add3A_101 = vector.broadcast %add3A_100 : i32 to vector<16xi32>
    %add3A_102 = arith.addi %add3A_101, %iota3A : vector<16xi32>
    %mul3A_103 = arith.constant 128 : i32
    %mul3A_104 = vector.broadcast %mul3A_103 : i32 to vector<16xi32>
    %mul3A_105 = arith.muli %get3A_99, %mul3A_104 : vector<16xi32>
    %add3A_106 = arith.addi %mul3A_105, %add3A_102 : vector<16xi32>
    %swap3A_107 = arith.constant 6 : i32
    %swap3A_108 = arith.index_cast %swap3A_107 : i32 to index
    %swap3A_109 = arith.constant 0 : index
    %swap3A_110 = tpu.vector_load %arg6[%swap3A_108, %swap3A_109] {strides = array<i32>} : memref<16x16xi32, #tpu.memory_space<vmem>>, vector<1x16xi32>,
    %swap3A_111 = vector.shape_cast %swap3A_110 : vector<1x16xi32> to vector<16xi32>
    %swap3A_112 = vector.shape_cast %add3A_106 : vector<16xi32> to vector<1x16xi32>
    tpu.vector_store %arg6[%swap3A_108, %swap3A_109], %swap3A_112 {strides = array<i32>} : memref<16x16xi32, #tpu.memory_space<vmem>>, vector<1x16xi32>,
    %get3A_113 = arith.constant 112 : index
    %get3A_114 = tpu.vector_load %arg5[%get3A_113] {strides = array<i32>} : memref<256xi32, #tpu.memory_space<vmem>>, vector<16xi32>,
    %get3A_115 = vector.shape_cast %get3A_114 : vector<16xi32> to vector<16xi32>
    %add3A_116 = arith.constant 112 : i32
    %add3A_117 = vector.broadcast %add3A_116 : i32 to vector<16xi32>
    %add3A_118 = arith.addi %add3A_117, %iota3A : vector<16xi32>
    %mul3A_119 = arith.constant 128 : i32
    %mul3A_120 = vector.broadcast %mul3A_119 : i32 to vector<16xi32>
    %mul3A_121 = arith.muli %get3A_115, %mul3A_120 : vector<16xi32>
    %add3A_122 = arith.addi %mul3A_121, %add3A_118 : vector<16xi32>
    %swap3A_123 = arith.constant 7 : i32
    %swap3A_124 = arith.index_cast %swap3A_123 : i32 to index
    %swap3A_125 = arith.constant 0 : index
    %swap3A_126 = tpu.vector_load %arg6[%swap3A_124, %swap3A_125] {strides = array<i32>} : memref<16x16xi32, #tpu.memory_space<vmem>>, vector<1x16xi32>,
    %swap3A_127 = vector.shape_cast %swap3A_126 : vector<1x16xi32> to vector<16xi32>
    %swap3A_128 = vector.shape_cast %add3A_122 : vector<16xi32> to vector<1x16xi32>
    tpu.vector_store %arg6[%swap3A_124, %swap3A_125], %swap3A_128 {strides = array<i32>} : memref<16x16xi32, #tpu.memory_space<vmem>>, vector<1x16xi32>,
    %get3A_129 = arith.constant 128 : index
    %get3A_130 = tpu.vector_load %arg5[%get3A_129] {strides = array<i32>} : memref<256xi32, #tpu.memory_space<vmem>>, vector<16xi32>,
    %get3A_131 = vector.shape_cast %get3A_130 : vector<16xi32> to vector<16xi32>
    %add3A_132 = arith.constant 0 : i32
    %add3A_133 = vector.broadcast %add3A_132 : i32 to vector<16xi32>
    %add3A_134 = arith.addi %add3A_133, %iota3A : vector<16xi32>
    %mul3A_135 = arith.constant 128 : i32
    %mul3A_136 = vector.broadcast %mul3A_135 : i32 to vector<16xi32>
    %mul3A_137 = arith.muli %get3A_131, %mul3A_136 : vector<16xi32>
    %add3A_138 = arith.addi %mul3A_137, %add3A_134 : vector<16xi32>
    %swap3A_139 = arith.constant 8 : i32
    %swap3A_140 = arith.index_cast %swap3A_139 : i32 to index
    %swap3A_141 = arith.constant 0 : index
    %swap3A_142 = tpu.vector_load %arg6[%swap3A_140, %swap3A_141] {strides = array<i32>} : memref<16x16xi32, #tpu.memory_space<vmem>>, vector<1x16xi32>,
    %swap3A_143 = vector.shape_cast %swap3A_142 : vector<1x16xi32> to vector<16xi32>
    %swap3A_144 = vector.shape_cast %add3A_138 : vector<16xi32> to vector<1x16xi32>
    tpu.vector_store %arg6[%swap3A_140, %swap3A_141], %swap3A_144 {strides = array<i32>} : memref<16x16xi32, #tpu.memory_space<vmem>>, vector<1x16xi32>,
    %get3A_145 = arith.constant 144 : index
    %get3A_146 = tpu.vector_load %arg5[%get3A_145] {strides = array<i32>} : memref<256xi32, #tpu.memory_space<vmem>>, vector<16xi32>,
    %get3A_147 = vector.shape_cast %get3A_146 : vector<16xi32> to vector<16xi32>
    %add3A_148 = arith.constant 16 : i32
    %add3A_149 = vector.broadcast %add3A_148 : i32 to vector<16xi32>
    %add3A_150 = arith.addi %add3A_149, %iota3A : vector<16xi32>
    %mul3A_151 = arith.constant 128 : i32
    %mul3A_152 = vector.broadcast %mul3A_151 : i32 to vector<16xi32>
    %mul3A_153 = arith.muli %get3A_147, %mul3A_152 : vector<16xi32>
    %add3A_154 = arith.addi %mul3A_153, %add3A_150 : vector<16xi32>
    %swap3A_155 = arith.constant 9 : i32
    %swap3A_156 = arith.index_cast %swap3A_155 : i32 to index
    %swap3A_157 = arith.constant 0 : index
    %swap3A_158 = tpu.vector_load %arg6[%swap3A_156, %swap3A_157] {strides = array<i32>} : memref<16x16xi32, #tpu.memory_space<vmem>>, vector<1x16xi32>,
    %swap3A_159 = vector.shape_cast %swap3A_158 : vector<1x16xi32> to vector<16xi32>
    %swap3A_160 = vector.shape_cast %add3A_154 : vector<16xi32> to vector<1x16xi32>
    tpu.vector_store %arg6[%swap3A_156, %swap3A_157], %swap3A_160 {strides = array<i32>} : memref<16x16xi32, #tpu.memory_space<vmem>>, vector<1x16xi32>,
    %get3A_161 = arith.constant 160 : index
    %get3A_162 = tpu.vector_load %arg5[%get3A_161] {strides = array<i32>} : memref<256xi32, #tpu.memory_space<vmem>>, vector<16xi32>,
    %get3A_163 = vector.shape_cast %get3A_162 : vector<16xi32> to vector<16xi32>
    %add3A_164 = arith.constant 32 : i32
    %add3A_165 = vector.broadcast %add3A_164 : i32 to vector<16xi32>
    %add3A_166 = arith.addi %add3A_165, %iota3A : vector<16xi32>
    %mul3A_167 = arith.constant 128 : i32
    %mul3A_168 = vector.broadcast %mul3A_167 : i32 to vector<16xi32>
    %mul3A_169 = arith.muli %get3A_163, %mul3A_168 : vector<16xi32>
    %add3A_170 = arith.addi %mul3A_169, %add3A_166 : vector<16xi32>
    %swap3A_171 = arith.constant 10 : i32
    %swap3A_172 = arith.index_cast %swap3A_171 : i32 to index
    %swap3A_173 = arith.constant 0 : index
    %swap3A_174 = tpu.vector_load %arg6[%swap3A_172, %swap3A_173] {strides = array<i32>} : memref<16x16xi32, #tpu.memory_space<vmem>>, vector<1x16xi32>,
    %swap3A_175 = vector.shape_cast %swap3A_174 : vector<1x16xi32> to vector<16xi32>
    %swap3A_176 = vector.shape_cast %add3A_170 : vector<16xi32> to vector<1x16xi32>
    tpu.vector_store %arg6[%swap3A_172, %swap3A_173], %swap3A_176 {strides = array<i32>} : memref<16x16xi32, #tpu.memory_space<vmem>>, vector<1x16xi32>,
    %get3A_177 = arith.constant 176 : index
    %get3A_178 = tpu.vector_load %arg5[%get3A_177] {strides = array<i32>} : memref<256xi32, #tpu.memory_space<vmem>>, vector<16xi32>,
    %get3A_179 = vector.shape_cast %get3A_178 : vector<16xi32> to vector<16xi32>
    %add3A_180 = arith.constant 48 : i32
    %add3A_181 = vector.broadcast %add3A_180 : i32 to vector<16xi32>
    %add3A_182 = arith.addi %add3A_181, %iota3A : vector<16xi32>
    %mul3A_183 = arith.constant 128 : i32
    %mul3A_184 = vector.broadcast %mul3A_183 : i32 to vector<16xi32>
    %mul3A_185 = arith.muli %get3A_179, %mul3A_184 : vector<16xi32>
    %add3A_186 = arith.addi %mul3A_185, %add3A_182 : vector<16xi32>
    %swap3A_187 = arith.constant 11 : i32
    %swap3A_188 = arith.index_cast %swap3A_187 : i32 to index
    %swap3A_189 = arith.constant 0 : index
    %swap3A_190 = tpu.vector_load %arg6[%swap3A_188, %swap3A_189] {strides = array<i32>} : memref<16x16xi32, #tpu.memory_space<vmem>>, vector<1x16xi32>,
    %swap3A_191 = vector.shape_cast %swap3A_190 : vector<1x16xi32> to vector<16xi32>
    %swap3A_192 = vector.shape_cast %add3A_186 : vector<16xi32> to vector<1x16xi32>
    tpu.vector_store %arg6[%swap3A_188, %swap3A_189], %swap3A_192 {strides = array<i32>} : memref<16x16xi32, #tpu.memory_space<vmem>>, vector<1x16xi32>,
    %get3A_193 = arith.constant 192 : index
    %get3A_194 = tpu.vector_load %arg5[%get3A_193] {strides = array<i32>} : memref<256xi32, #tpu.memory_space<vmem>>, vector<16xi32>,
    %get3A_195 = vector.shape_cast %get3A_194 : vector<16xi32> to vector<16xi32>
    %add3A_196 = arith.constant 64 : i32
    %add3A_197 = vector.broadcast %add3A_196 : i32 to vector<16xi32>
    %add3A_198 = arith.addi %add3A_197, %iota3A : vector<16xi32>
    %mul3A_199 = arith.constant 128 : i32
    %mul3A_200 = vector.broadcast %mul3A_199 : i32 to vector<16xi32>
    %mul3A_201 = arith.muli %get3A_195, %mul3A_200 : vector<16xi32>
    %add3A_202 = arith.addi %mul3A_201, %add3A_198 : vector<16xi32>
    %swap3A_203 = arith.constant 12 : i32
    %swap3A_204 = arith.index_cast %swap3A_203 : i32 to index
    %swap3A_205 = arith.constant 0 : index
    %swap3A_206 = tpu.vector_load %arg6[%swap3A_204, %swap3A_205] {strides = array<i32>} : memref<16x16xi32, #tpu.memory_space<vmem>>, vector<1x16xi32>,
    %swap3A_207 = vector.shape_cast %swap3A_206 : vector<1x16xi32> to vector<16xi32>
    %swap3A_208 = vector.shape_cast %add3A_202 : vector<16xi32> to vector<1x16xi32>
    tpu.vector_store %arg6[%swap3A_204, %swap3A_205], %swap3A_208 {strides = array<i32>} : memref<16x16xi32, #tpu.memory_space<vmem>>, vector<1x16xi32>,
    %get3A_209 = arith.constant 208 : index
    %get3A_210 = tpu.vector_load %arg5[%get3A_209] {strides = array<i32>} : memref<256xi32, #tpu.memory_space<vmem>>, vector<16xi32>,
    %get3A_211 = vector.shape_cast %get3A_210 : vector<16xi32> to vector<16xi32>
    %add3A_212 = arith.constant 80 : i32
    %add3A_213 = vector.broadcast %add3A_212 : i32 to vector<16xi32>
    %add3A_214 = arith.addi %add3A_213, %iota3A : vector<16xi32>
    %mul3A_215 = arith.constant 128 : i32
    %mul3A_216 = vector.broadcast %mul3A_215 : i32 to vector<16xi32>
    %mul3A_217 = arith.muli %get3A_211, %mul3A_216 : vector<16xi32>
    %add3A_218 = arith.addi %mul3A_217, %add3A_214 : vector<16xi32>
    %swap3A_219 = arith.constant 13 : i32
    %swap3A_220 = arith.index_cast %swap3A_219 : i32 to index
    %swap3A_221 = arith.constant 0 : index
    %swap3A_222 = tpu.vector_load %arg6[%swap3A_220, %swap3A_221] {strides = array<i32>} : memref<16x16xi32, #tpu.memory_space<vmem>>, vector<1x16xi32>,
    %swap3A_223 = vector.shape_cast %swap3A_222 : vector<1x16xi32> to vector<16xi32>
    %swap3A_224 = vector.shape_cast %add3A_218 : vector<16xi32> to vector<1x16xi32>
    tpu.vector_store %arg6[%swap3A_220, %swap3A_221], %swap3A_224 {strides = array<i32>} : memref<16x16xi32, #tpu.memory_space<vmem>>, vector<1x16xi32>,
    %get3A_225 = arith.constant 224 : index
    %get3A_226 = tpu.vector_load %arg5[%get3A_225] {strides = array<i32>} : memref<256xi32, #tpu.memory_space<vmem>>, vector<16xi32>,
    %get3A_227 = vector.shape_cast %get3A_226 : vector<16xi32> to vector<16xi32>
    %add3A_228 = arith.constant 96 : i32
    %add3A_229 = vector.broadcast %add3A_228 : i32 to vector<16xi32>
    %add3A_230 = arith.addi %add3A_229, %iota3A : vector<16xi32>
    %mul3A_231 = arith.constant 128 : i32
    %mul3A_232 = vector.broadcast %mul3A_231 : i32 to vector<16xi32>
    %mul3A_233 = arith.muli %get3A_227, %mul3A_232 : vector<16xi32>
    %add3A_234 = arith.addi %mul3A_233, %add3A_230 : vector<16xi32>
    %swap3A_235 = arith.constant 14 : i32
    %swap3A_236 = arith.index_cast %swap3A_235 : i32 to index
    %swap3A_237 = arith.constant 0 : index
    %swap3A_238 = tpu.vector_load %arg6[%swap3A_236, %swap3A_237] {strides = array<i32>} : memref<16x16xi32, #tpu.memory_space<vmem>>, vector<1x16xi32>,
    %swap3A_239 = vector.shape_cast %swap3A_238 : vector<1x16xi32> to vector<16xi32>
    %swap3A_240 = vector.shape_cast %add3A_234 : vector<16xi32> to vector<1x16xi32>
    tpu.vector_store %arg6[%swap3A_236, %swap3A_237], %swap3A_240 {strides = array<i32>} : memref<16x16xi32, #tpu.memory_space<vmem>>, vector<1x16xi32>,
    %get3A_241 = arith.constant 240 : index
    %get3A_242 = tpu.vector_load %arg5[%get3A_241] {strides = array<i32>} : memref<256xi32, #tpu.memory_space<vmem>>, vector<16xi32>,
    %get3A_243 = vector.shape_cast %get3A_242 : vector<16xi32> to vector<16xi32>
    %add3A_244 = arith.constant 112 : i32
    %add3A_245 = vector.broadcast %add3A_244 : i32 to vector<16xi32>
    %add3A_246 = arith.addi %add3A_245, %iota3A : vector<16xi32>
    %mul3A_247 = arith.constant 128 : i32
    %mul3A_248 = vector.broadcast %mul3A_247 : i32 to vector<16xi32>
    %mul3A_249 = arith.muli %get3A_243, %mul3A_248 : vector<16xi32>
    %add3A_250 = arith.addi %mul3A_249, %add3A_246 : vector<16xi32>
    %swap3A_251 = arith.constant 15 : i32
    %swap3A_252 = arith.index_cast %swap3A_251 : i32 to index
    %swap3A_253 = arith.constant 0 : index
    %swap3A_254 = tpu.vector_load %arg6[%swap3A_252, %swap3A_253] {strides = array<i32>} : memref<16x16xi32, #tpu.memory_space<vmem>>, vector<1x16xi32>,
    %swap3A_255 = vector.shape_cast %swap3A_254 : vector<1x16xi32> to vector<16xi32>
    %swap3A_256 = vector.shape_cast %add3A_250 : vector<16xi32> to vector<1x16xi32>
    tpu.vector_store %arg6[%swap3A_252, %swap3A_253], %swap3A_256 {strides = array<i32>} : memref<16x16xi32, #tpu.memory_space<vmem>>, vector<1x16xi32>,
    %dma_start3A = arith.constant 0 : i32
    %dma_start3A_257 = arith.constant 0 : i32
    %dma_start3A_258 = tpu.memref_slice %arg6[%dma_start3A, %dma_start3A_257] : memref<16x16xi32, #tpu.memory_space<vmem>> -> memref<1x16xi32, #tpu.memory_space<vmem>>
    %dma_start3A_259 = tpu.memref_squeeze %dma_start3A_258 : memref<1x16xi32, #tpu.memory_space<vmem>> -> memref<16xi32, #tpu.memory_space<vmem>>
    %dma_start3A_260 = arith.constant 0 : i32
    %dma_start3A_261 = arith.constant 0 : i32
    %dma_start3A_262 = tpu.memref_slice %arg2[%dma_start3A_260, %dma_start3A_261] : memref<32768x768xf32, #tpu.memory_space<hbm>> -> memref<32768x768xf32, #tpu.memory_space<hbm>>
    tpu.enqueue_indirect_dma source(%dma_start3A_262 : memref<32768x768xf32, #tpu.memory_space<hbm>>) target(%arg7 : memref<16x768xf32, #tpu.memory_space<vmem>>) offsets(%dma_start3A_259 : memref<16xi32, #tpu.memory_space<vmem>>) semaphore(%arg15 : memref<!tpu.dma_semaphore, #tpu.memory_space<semaphore_mem>>)
    %dma_start3A_263 = arith.constant 1 : i32
    %dma_start3A_264 = arith.constant 0 : i32
    %dma_start3A_265 = tpu.memref_slice %arg6[%dma_start3A_263, %dma_start3A_264] : memref<16x16xi32, #tpu.memory_space<vmem>> -> memref<1x16xi32, #tpu.memory_space<vmem>>
    %dma_start3A_266 = tpu.memref_squeeze %dma_start3A_265 : memref<1x16xi32, #tpu.memory_space<vmem>> -> memref<16xi32, #tpu.memory_space<vmem>>
    %dma_start3A_267 = arith.constant 0 : i32
    %dma_start3A_268 = arith.constant 0 : i32
    %dma_start3A_269 = tpu.memref_slice %arg2[%dma_start3A_267, %dma_start3A_268] : memref<32768x768xf32, #tpu.memory_space<hbm>> -> memref<32768x768xf32, #tpu.memory_space<hbm>>
    tpu.enqueue_indirect_dma source(%dma_start3A_269 : memref<32768x768xf32, #tpu.memory_space<hbm>>) target(%arg8 : memref<16x768xf32, #tpu.memory_space<vmem>>) offsets(%dma_start3A_266 : memref<16xi32, #tpu.memory_space<vmem>>) semaphore(%arg16 : memref<!tpu.dma_semaphore, #tpu.memory_space<semaphore_mem>>)
    %dma_start3A_270 = arith.constant 2 : i32
    %dma_start3A_271 = arith.constant 0 : i32
    %dma_start3A_272 = tpu.memref_slice %arg6[%dma_start3A_270, %dma_start3A_271] : memref<16x16xi32, #tpu.memory_space<vmem>> -> memref<1x16xi32, #tpu.memory_space<vmem>>
    %dma_start3A_273 = tpu.memref_squeeze %dma_start3A_272 : memref<1x16xi32, #tpu.memory_space<vmem>> -> memref<16xi32, #tpu.memory_space<vmem>>
    %dma_start3A_274 = arith.constant 0 : i32
    %dma_start3A_275 = arith.constant 0 : i32
    %dma_start3A_276 = tpu.memref_slice %arg2[%dma_start3A_274, %dma_start3A_275] : memref<32768x768xf32, #tpu.memory_space<hbm>> -> memref<32768x768xf32, #tpu.memory_space<hbm>>
    tpu.enqueue_indirect_dma source(%dma_start3A_276 : memref<32768x768xf32, #tpu.memory_space<hbm>>) target(%arg9 : memref<16x768xf32, #tpu.memory_space<vmem>>) offsets(%dma_start3A_273 : memref<16xi32, #tpu.memory_space<vmem>>) semaphore(%arg17 : memref<!tpu.dma_semaphore, #tpu.memory_space<semaphore_mem>>)
    %dma_start3A_277 = arith.constant 3 : i32
    %dma_start3A_278 = arith.constant 0 : i32
    %dma_start3A_279 = tpu.memref_slice %arg6[%dma_start3A_277, %dma_start3A_278] : memref<16x16xi32, #tpu.memory_space<vmem>> -> memref<1x16xi32, #tpu.memory_space<vmem>>
    %dma_start3A_280 = tpu.memref_squeeze %dma_start3A_279 : memref<1x16xi32, #tpu.memory_space<vmem>> -> memref<16xi32, #tpu.memory_space<vmem>>
    %dma_start3A_281 = arith.constant 0 : i32
    %dma_start3A_282 = arith.constant 0 : i32
    %dma_start3A_283 = tpu.memref_slice %arg2[%dma_start3A_281, %dma_start3A_282] : memref<32768x768xf32, #tpu.memory_space<hbm>> -> memref<32768x768xf32, #tpu.memory_space<hbm>>
    tpu.enqueue_indirect_dma source(%dma_start3A_283 : memref<32768x768xf32, #tpu.memory_space<hbm>>) target(%arg10 : memref<16x768xf32, #tpu.memory_space<vmem>>) offsets(%dma_start3A_280 : memref<16xi32, #tpu.memory_space<vmem>>) semaphore(%arg18 : memref<!tpu.dma_semaphore, #tpu.memory_space<semaphore_mem>>)
    %dma_start3A_284 = arith.constant 4 : i32
    %dma_start3A_285 = arith.constant 0 : i32
    %dma_start3A_286 = tpu.memref_slice %arg6[%dma_start3A_284, %dma_start3A_285] : memref<16x16xi32, #tpu.memory_space<vmem>> -> memref<1x16xi32, #tpu.memory_space<vmem>>
    %dma_start3A_287 = tpu.memref_squeeze %dma_start3A_286 : memref<1x16xi32, #tpu.memory_space<vmem>> -> memref<16xi32, #tpu.memory_space<vmem>>
    %dma_start3A_288 = arith.constant 0 : i32
    %dma_start3A_289 = arith.constant 0 : i32
    %dma_start3A_290 = tpu.memref_slice %arg2[%dma_start3A_288, %dma_start3A_289] : memref<32768x768xf32, #tpu.memory_space<hbm>> -> memref<32768x768xf32, #tpu.memory_space<hbm>>
    tpu.enqueue_indirect_dma source(%dma_start3A_290 : memref<32768x768xf32, #tpu.memory_space<hbm>>) target(%arg11 : memref<16x768xf32, #tpu.memory_space<vmem>>) offsets(%dma_start3A_287 : memref<16xi32, #tpu.memory_space<vmem>>) semaphore(%arg19 : memref<!tpu.dma_semaphore, #tpu.memory_space<semaphore_mem>>)
    %dma_start3A_291 = arith.constant 5 : i32
    %dma_start3A_292 = arith.constant 0 : i32
    %dma_start3A_293 = tpu.memref_slice %arg6[%dma_start3A_291, %dma_start3A_292] : memref<16x16xi32, #tpu.memory_space<vmem>> -> memref<1x16xi32, #tpu.memory_space<vmem>>
    %dma_start3A_294 = tpu.memref_squeeze %dma_start3A_293 : memref<1x16xi32, #tpu.memory_space<vmem>> -> memref<16xi32, #tpu.memory_space<vmem>>
    %dma_start3A_295 = arith.constant 0 : i32
    %dma_start3A_296 = arith.constant 0 : i32
    %dma_start3A_297 = tpu.memref_slice %arg2[%dma_start3A_295, %dma_start3A_296] : memref<32768x768xf32, #tpu.memory_space<hbm>> -> memref<32768x768xf32, #tpu.memory_space<hbm>>
    tpu.enqueue_indirect_dma source(%dma_start3A_297 : memref<32768x768xf32, #tpu.memory_space<hbm>>) target(%arg12 : memref<16x768xf32, #tpu.memory_space<vmem>>) offsets(%dma_start3A_294 : memref<16xi32, #tpu.memory_space<vmem>>) semaphore(%arg20 : memref<!tpu.dma_semaphore, #tpu.memory_space<semaphore_mem>>)
    %dma_start3A_298 = arith.constant 6 : i32
    %dma_start3A_299 = arith.constant 0 : i32
    %dma_start3A_300 = tpu.memref_slice %arg6[%dma_start3A_298, %dma_start3A_299] : memref<16x16xi32, #tpu.memory_space<vmem>> -> memref<1x16xi32, #tpu.memory_space<vmem>>
    %dma_start3A_301 = tpu.memref_squeeze %dma_start3A_300 : memref<1x16xi32, #tpu.memory_space<vmem>> -> memref<16xi32, #tpu.memory_space<vmem>>
    %dma_start3A_302 = arith.constant 0 : i32
    %dma_start3A_303 = arith.constant 0 : i32
    %dma_start3A_304 = tpu.memref_slice %arg2[%dma_start3A_302, %dma_start3A_303] : memref<32768x768xf32, #tpu.memory_space<hbm>> -> memref<32768x768xf32, #tpu.memory_space<hbm>>
    tpu.enqueue_indirect_dma source(%dma_start3A_304 : memref<32768x768xf32, #tpu.memory_space<hbm>>) target(%arg13 : memref<16x768xf32, #tpu.memory_space<vmem>>) offsets(%dma_start3A_301 : memref<16xi32, #tpu.memory_space<vmem>>) semaphore(%arg21 : memref<!tpu.dma_semaphore, #tpu.memory_space<semaphore_mem>>)
    %dma_start3A_305 = arith.constant 7 : i32
    %dma_start3A_306 = arith.constant 0 : i32
    %dma_start3A_307 = tpu.memref_slice %arg6[%dma_start3A_305, %dma_start3A_306] : memref<16x16xi32, #tpu.memory_space<vmem>> -> memref<1x16xi32, #tpu.memory_space<vmem>>
    %dma_start3A_308 = tpu.memref_squeeze %dma_start3A_307 : memref<1x16xi32, #tpu.memory_space<vmem>> -> memref<16xi32, #tpu.memory_space<vmem>>
    %dma_start3A_309 = arith.constant 0 : i32
    %dma_start3A_310 = arith.constant 0 : i32
    %dma_start3A_311 = tpu.memref_slice %arg2[%dma_start3A_309, %dma_start3A_310] : memref<32768x768xf32, #tpu.memory_space<hbm>> -> memref<32768x768xf32, #tpu.memory_space<hbm>>
    tpu.enqueue_indirect_dma source(%dma_start3A_311 : memref<32768x768xf32, #tpu.memory_space<hbm>>) target(%arg14 : memref<16x768xf32, #tpu.memory_space<vmem>>) offsets(%dma_start3A_308 : memref<16xi32, #tpu.memory_space<vmem>>) semaphore(%arg22 : memref<!tpu.dma_semaphore, #tpu.memory_space<semaphore_mem>>)
    %dma_wait3A = arith.constant 0 : i32
    %dma_wait3A_312 = arith.constant 0 : i32
    %dma_wait3A_313 = tpu.memref_slice %arg6[%dma_wait3A, %dma_wait3A_312] : memref<16x16xi32, #tpu.memory_space<vmem>> -> memref<1x16xi32, #tpu.memory_space<vmem>>
    %dma_wait3A_314 = tpu.memref_squeeze %dma_wait3A_313 : memref<1x16xi32, #tpu.memory_space<vmem>> -> memref<16xi32, #tpu.memory_space<vmem>>
    %dma_wait3A_315 = arith.constant 0 : i32
    %dma_wait3A_316 = arith.constant 0 : i32
    %dma_wait3A_317 = tpu.memref_slice %arg2[%dma_wait3A_315, %dma_wait3A_316] : memref<32768x768xf32, #tpu.memory_space<hbm>> -> memref<32768x768xf32, #tpu.memory_space<hbm>>
    tpu.wait_indirect_dma semaphore(%arg15 : memref<!tpu.dma_semaphore, #tpu.memory_space<semaphore_mem>>) src(%dma_wait3A_317 : memref<32768x768xf32, #tpu.memory_space<hbm>>) dst(%arg7 : memref<16x768xf32, #tpu.memory_space<vmem>>)
    %add3A_318 = arith.constant 0 : i32
    %add3A_319 = arith.addi %mul3A_2, %add3A_318 : i32
    %dma_start3A_320 = arith.constant 0 : i32
    %dma_start3A_321 = tpu.memref_slice %arg4[%add3A_319, %dma_start3A_320] : memref<8192x768xf32, #tpu.memory_space<hbm>> -> memref<16x768xf32, #tpu.memory_space<hbm>>
    %dma_start3A_322 = arith.constant 0 : i32
    %dma_start3A_323 = tpu.memref_slice %arg4[%add3A_319, %dma_start3A_322] : memref<8192x768xf32, #tpu.memory_space<hbm>> -> memref<16x768xf32, #tpu.memory_space<hbm>>
    tpu.enqueue_dma source(%arg7 : memref<16x768xf32, #tpu.memory_space<vmem>>) target(%dma_start3A_323 : memref<16x768xf32, #tpu.memory_space<hbm>>) target_semaphore(%arg23 : memref<!tpu.dma_semaphore, #tpu.memory_space<semaphore_mem>>)
    %dma_wait3A_324 = arith.constant 0 : i32
    %dma_wait3A_325 = tpu.memref_slice %arg4[%add3A_319, %dma_wait3A_324] : memref<8192x768xf32, #tpu.memory_space<hbm>> -> memref<16x768xf32, #tpu.memory_space<hbm>>
    %dma_wait3A_326 = arith.constant 0 : i32
    %dma_wait3A_327 = tpu.memref_slice %arg4[%add3A_319, %dma_wait3A_326] : memref<8192x768xf32, #tpu.memory_space<hbm>> -> memref<16x768xf32, #tpu.memory_space<hbm>>
    tpu.wait_dma2 semaphore(%arg23 : memref<!tpu.dma_semaphore, #tpu.memory_space<semaphore_mem>>) src(%arg7 : memref<16x768xf32, #tpu.memory_space<vmem>>) dst(%dma_wait3A_327 : memref<16x768xf32, #tpu.memory_space<hbm>>)
    %dma_start3A_328 = arith.constant 8 : i32
    %dma_start3A_329 = arith.constant 0 : i32
    %dma_start3A_330 = tpu.memref_slice %arg6[%dma_start3A_328, %dma_start3A_329] : memref<16x16xi32, #tpu.memory_space<vmem>> -> memref<1x16xi32, #tpu.memory_space<vmem>>
    %dma_start3A_331 = tpu.memref_squeeze %dma_start3A_330 : memref<1x16xi32, #tpu.memory_space<vmem>> -> memref<16xi32, #tpu.memory_space<vmem>>
    %dma_start3A_332 = arith.constant 0 : i32
    %dma_start3A_333 = arith.constant 0 : i32
    %dma_start3A_334 = tpu.memref_slice %arg2[%dma_start3A_332, %dma_start3A_333] : memref<32768x768xf32, #tpu.memory_space<hbm>> -> memref<32768x768xf32, #tpu.memory_space<hbm>>
    tpu.enqueue_indirect_dma source(%dma_start3A_334 : memref<32768x768xf32, #tpu.memory_space<hbm>>) target(%arg7 : memref<16x768xf32, #tpu.memory_space<vmem>>) offsets(%dma_start3A_331 : memref<16xi32, #tpu.memory_space<vmem>>) semaphore(%arg15 : memref<!tpu.dma_semaphore, #tpu.memory_space<semaphore_mem>>)
    %dma_wait3A_335 = arith.constant 1 : i32
    %dma_wait3A_336 = arith.constant 0 : i32
    %dma_wait3A_337 = tpu.memref_slice %arg6[%dma_wait3A_335, %dma_wait3A_336] : memref<16x16xi32, #tpu.memory_space<vmem>> -> memref<1x16xi32, #tpu.memory_space<vmem>>
    %dma_wait3A_338 = tpu.memref_squeeze %dma_wait3A_337 : memref<1x16xi32, #tpu.memory_space<vmem>> -> memref<16xi32, #tpu.memory_space<vmem>>
    %dma_wait3A_339 = arith.constant 0 : i32
    %dma_wait3A_340 = arith.constant 0 : i32
    %dma_wait3A_341 = tpu.memref_slice %arg2[%dma_wait3A_339, %dma_wait3A_340] : memref<32768x768xf32, #tpu.memory_space<hbm>> -> memref<32768x768xf32, #tpu.memory_space<hbm>>
    tpu.wait_indirect_dma semaphore(%arg16 : memref<!tpu.dma_semaphore, #tpu.memory_space<semaphore_mem>>) src(%dma_wait3A_341 : memref<32768x768xf32, #tpu.memory_space<hbm>>) dst(%arg8 : memref<16x768xf32, #tpu.memory_space<vmem>>)
    %add3A_342 = arith.constant 16 : i32
    %add3A_343 = arith.addi %mul3A_2, %add3A_342 : i32
    %dma_start3A_344 = arith.constant 0 : i32
    %dma_start3A_345 = tpu.memref_slice %arg4[%add3A_343, %dma_start3A_344] : memref<8192x768xf32, #tpu.memory_space<hbm>> -> memref<16x768xf32, #tpu.memory_space<hbm>>
    %dma_start3A_346 = arith.constant 0 : i32
    %dma_start3A_347 = tpu.memref_slice %arg4[%add3A_343, %dma_start3A_346] : memref<8192x768xf32, #tpu.memory_space<hbm>> -> memref<16x768xf32, #tpu.memory_space<hbm>>
    tpu.enqueue_dma source(%arg8 : memref<16x768xf32, #tpu.memory_space<vmem>>) target(%dma_start3A_347 : memref<16x768xf32, #tpu.memory_space<hbm>>) target_semaphore(%arg24 : memref<!tpu.dma_semaphore, #tpu.memory_space<semaphore_mem>>)
    %dma_wait3A_348 = arith.constant 0 : i32
    %dma_wait3A_349 = tpu.memref_slice %arg4[%add3A_343, %dma_wait3A_348] : memref<8192x768xf32, #tpu.memory_space<hbm>> -> memref<16x768xf32, #tpu.memory_space<hbm>>
    %dma_wait3A_350 = arith.constant 0 : i32
    %dma_wait3A_351 = tpu.memref_slice %arg4[%add3A_343, %dma_wait3A_350] : memref<8192x768xf32, #tpu.memory_space<hbm>> -> memref<16x768xf32, #tpu.memory_space<hbm>>
    tpu.wait_dma2 semaphore(%arg24 : memref<!tpu.dma_semaphore, #tpu.memory_space<semaphore_mem>>) src(%arg8 : memref<16x768xf32, #tpu.memory_space<vmem>>) dst(%dma_wait3A_351 : memref<16x768xf32, #tpu.memory_space<hbm>>)
    %dma_start3A_352 = arith.constant 9 : i32
    %dma_start3A_353 = arith.constant 0 : i32
    %dma_start3A_354 = tpu.memref_slice %arg6[%dma_start3A_352, %dma_start3A_353] : memref<16x16xi32, #tpu.memory_space<vmem>> -> memref<1x16xi32, #tpu.memory_space<vmem>>
    %dma_start3A_355 = tpu.memref_squeeze %dma_start3A_354 : memref<1x16xi32, #tpu.memory_space<vmem>> -> memref<16xi32, #tpu.memory_space<vmem>>
    %dma_start3A_356 = arith.constant 0 : i32
    %dma_start3A_357 = arith.constant 0 : i32
    %dma_start3A_358 = tpu.memref_slice %arg2[%dma_start3A_356, %dma_start3A_357] : memref<32768x768xf32, #tpu.memory_space<hbm>> -> memref<32768x768xf32, #tpu.memory_space<hbm>>
    tpu.enqueue_indirect_dma source(%dma_start3A_358 : memref<32768x768xf32, #tpu.memory_space<hbm>>) target(%arg8 : memref<16x768xf32, #tpu.memory_space<vmem>>) offsets(%dma_start3A_355 : memref<16xi32, #tpu.memory_space<vmem>>) semaphore(%arg16 : memref<!tpu.dma_semaphore, #tpu.memory_space<semaphore_mem>>)
    %dma_wait3A_359 = arith.constant 2 : i32
    %dma_wait3A_360 = arith.constant 0 : i32
    %dma_wait3A_361 = tpu.memref_slice %arg6[%dma_wait3A_359, %dma_wait3A_360] : memref<16x16xi32, #tpu.memory_space<vmem>> -> memref<1x16xi32, #tpu.memory_space<vmem>>
    %dma_wait3A_362 = tpu.memref_squeeze %dma_wait3A_361 : memref<1x16xi32, #tpu.memory_space<vmem>> -> memref<16xi32, #tpu.memory_space<vmem>>
    %dma_wait3A_363 = arith.constant 0 : i32
    %dma_wait3A_364 = arith.constant 0 : i32
    %dma_wait3A_365 = tpu.memref_slice %arg2[%dma_wait3A_363, %dma_wait3A_364] : memref<32768x768xf32, #tpu.memory_space<hbm>> -> memref<32768x768xf32, #tpu.memory_space<hbm>>
    tpu.wait_indirect_dma semaphore(%arg17 : memref<!tpu.dma_semaphore, #tpu.memory_space<semaphore_mem>>) src(%dma_wait3A_365 : memref<32768x768xf32, #tpu.memory_space<hbm>>) dst(%arg9 : memref<16x768xf32, #tpu.memory_space<vmem>>)
    %add3A_366 = arith.constant 32 : i32
    %add3A_367 = arith.addi %mul3A_2, %add3A_366 : i32
    %dma_start3A_368 = arith.constant 0 : i32
    %dma_start3A_369 = tpu.memref_slice %arg4[%add3A_367, %dma_start3A_368] : memref<8192x768xf32, #tpu.memory_space<hbm>> -> memref<16x768xf32, #tpu.memory_space<hbm>>
    %dma_start3A_370 = arith.constant 0 : i32
    %dma_start3A_371 = tpu.memref_slice %arg4[%add3A_367, %dma_start3A_370] : memref<8192x768xf32, #tpu.memory_space<hbm>> -> memref<16x768xf32, #tpu.memory_space<hbm>>
    tpu.enqueue_dma source(%arg9 : memref<16x768xf32, #tpu.memory_space<vmem>>) target(%dma_start3A_371 : memref<16x768xf32, #tpu.memory_space<hbm>>) target_semaphore(%arg25 : memref<!tpu.dma_semaphore, #tpu.memory_space<semaphore_mem>>)
    %dma_wait3A_372 = arith.constant 0 : i32
    %dma_wait3A_373 = tpu.memref_slice %arg4[%add3A_367, %dma_wait3A_372] : memref<8192x768xf32, #tpu.memory_space<hbm>> -> memref<16x768xf32, #tpu.memory_space<hbm>>
    %dma_wait3A_374 = arith.constant 0 : i32
    %dma_wait3A_375 = tpu.memref_slice %arg4[%add3A_367, %dma_wait3A_374] : memref<8192x768xf32, #tpu.memory_space<hbm>> -> memref<16x768xf32, #tpu.memory_space<hbm>>
    tpu.wait_dma2 semaphore(%arg25 : memref<!tpu.dma_semaphore, #tpu.memory_space<semaphore_mem>>) src(%arg9 : memref<16x768xf32, #tpu.memory_space<vmem>>) dst(%dma_wait3A_375 : memref<16x768xf32, #tpu.memory_space<hbm>>)
    %dma_start3A_376 = arith.constant 10 : i32
    %dma_start3A_377 = arith.constant 0 : i32
    %dma_start3A_378 = tpu.memref_slice %arg6[%dma_start3A_376, %dma_start3A_377] : memref<16x16xi32, #tpu.memory_space<vmem>> -> memref<1x16xi32, #tpu.memory_space<vmem>>
    %dma_start3A_379 = tpu.memref_squeeze %dma_start3A_378 : memref<1x16xi32, #tpu.memory_space<vmem>> -> memref<16xi32, #tpu.memory_space<vmem>>
    %dma_start3A_380 = arith.constant 0 : i32
    %dma_start3A_381 = arith.constant 0 : i32
    %dma_start3A_382 = tpu.memref_slice %arg2[%dma_start3A_380, %dma_start3A_381] : memref<32768x768xf32, #tpu.memory_space<hbm>> -> memref<32768x768xf32, #tpu.memory_space<hbm>>
    tpu.enqueue_indirect_dma source(%dma_start3A_382 : memref<32768x768xf32, #tpu.memory_space<hbm>>) target(%arg9 : memref<16x768xf32, #tpu.memory_space<vmem>>) offsets(%dma_start3A_379 : memref<16xi32, #tpu.memory_space<vmem>>) semaphore(%arg17 : memref<!tpu.dma_semaphore, #tpu.memory_space<semaphore_mem>>)
    %dma_wait3A_383 = arith.constant 3 : i32
    %dma_wait3A_384 = arith.constant 0 : i32
    %dma_wait3A_385 = tpu.memref_slice %arg6[%dma_wait3A_383, %dma_wait3A_384] : memref<16x16xi32, #tpu.memory_space<vmem>> -> memref<1x16xi32, #tpu.memory_space<vmem>>
    %dma_wait3A_386 = tpu.memref_squeeze %dma_wait3A_385 : memref<1x16xi32, #tpu.memory_space<vmem>> -> memref<16xi32, #tpu.memory_space<vmem>>
    %dma_wait3A_387 = arith.constant 0 : i32
    %dma_wait3A_388 = arith.constant 0 : i32
    %dma_wait3A_389 = tpu.memref_slice %arg2[%dma_wait3A_387, %dma_wait3A_388] : memref<32768x768xf32, #tpu.memory_space<hbm>> -> memref<32768x768xf32, #tpu.memory_space<hbm>>
    tpu.wait_indirect_dma semaphore(%arg18 : memref<!tpu.dma_semaphore, #tpu.memory_space<semaphore_mem>>) src(%dma_wait3A_389 : memref<32768x768xf32, #tpu.memory_space<hbm>>) dst(%arg10 : memref<16x768xf32, #tpu.memory_space<vmem>>)
    %add3A_390 = arith.constant 48 : i32
    %add3A_391 = arith.addi %mul3A_2, %add3A_390 : i32
    %dma_start3A_392 = arith.constant 0 : i32
    %dma_start3A_393 = tpu.memref_slice %arg4[%add3A_391, %dma_start3A_392] : memref<8192x768xf32, #tpu.memory_space<hbm>> -> memref<16x768xf32, #tpu.memory_space<hbm>>
    %dma_start3A_394 = arith.constant 0 : i32
    %dma_start3A_395 = tpu.memref_slice %arg4[%add3A_391, %dma_start3A_394] : memref<8192x768xf32, #tpu.memory_space<hbm>> -> memref<16x768xf32, #tpu.memory_space<hbm>>
    tpu.enqueue_dma source(%arg10 : memref<16x768xf32, #tpu.memory_space<vmem>>) target(%dma_start3A_395 : memref<16x768xf32, #tpu.memory_space<hbm>>) target_semaphore(%arg26 : memref<!tpu.dma_semaphore, #tpu.memory_space<semaphore_mem>>)
    %dma_wait3A_396 = arith.constant 0 : i32
    %dma_wait3A_397 = tpu.memref_slice %arg4[%add3A_391, %dma_wait3A_396] : memref<8192x768xf32, #tpu.memory_space<hbm>> -> memref<16x768xf32, #tpu.memory_space<hbm>>
    %dma_wait3A_398 = arith.constant 0 : i32
    %dma_wait3A_399 = tpu.memref_slice %arg4[%add3A_391, %dma_wait3A_398] : memref<8192x768xf32, #tpu.memory_space<hbm>> -> memref<16x768xf32, #tpu.memory_space<hbm>>
    tpu.wait_dma2 semaphore(%arg26 : memref<!tpu.dma_semaphore, #tpu.memory_space<semaphore_mem>>) src(%arg10 : memref<16x768xf32, #tpu.memory_space<vmem>>) dst(%dma_wait3A_399 : memref<16x768xf32, #tpu.memory_space<hbm>>)
    %dma_start3A_400 = arith.constant 11 : i32
    %dma_start3A_401 = arith.constant 0 : i32
    %dma_start3A_402 = tpu.memref_slice %arg6[%dma_start3A_400, %dma_start3A_401] : memref<16x16xi32, #tpu.memory_space<vmem>> -> memref<1x16xi32, #tpu.memory_space<vmem>>
    %dma_start3A_403 = tpu.memref_squeeze %dma_start3A_402 : memref<1x16xi32, #tpu.memory_space<vmem>> -> memref<16xi32, #tpu.memory_space<vmem>>
    %dma_start3A_404 = arith.constant 0 : i32
    %dma_start3A_405 = arith.constant 0 : i32
    %dma_start3A_406 = tpu.memref_slice %arg2[%dma_start3A_404, %dma_start3A_405] : memref<32768x768xf32, #tpu.memory_space<hbm>> -> memref<32768x768xf32, #tpu.memory_space<hbm>>
    tpu.enqueue_indirect_dma source(%dma_start3A_406 : memref<32768x768xf32, #tpu.memory_space<hbm>>) target(%arg10 : memref<16x768xf32, #tpu.memory_space<vmem>>) offsets(%dma_start3A_403 : memref<16xi32, #tpu.memory_space<vmem>>) semaphore(%arg18 : memref<!tpu.dma_semaphore, #tpu.memory_space<semaphore_mem>>)
    %dma_wait3A_407 = arith.constant 4 : i32
    %dma_wait3A_408 = arith.constant 0 : i32
    %dma_wait3A_409 = tpu.memref_slice %arg6[%dma_wait3A_407, %dma_wait3A_408] : memref<16x16xi32, #tpu.memory_space<vmem>> -> memref<1x16xi32, #tpu.memory_space<vmem>>
    %dma_wait3A_410 = tpu.memref_squeeze %dma_wait3A_409 : memref<1x16xi32, #tpu.memory_space<vmem>> -> memref<16xi32, #tpu.memory_space<vmem>>
    %dma_wait3A_411 = arith.constant 0 : i32
    %dma_wait3A_412 = arith.constant 0 : i32
    %dma_wait3A_413 = tpu.memref_slice %arg2[%dma_wait3A_411, %dma_wait3A_412] : memref<32768x768xf32, #tpu.memory_space<hbm>> -> memref<32768x768xf32, #tpu.memory_space<hbm>>
    tpu.wait_indirect_dma semaphore(%arg19 : memref<!tpu.dma_semaphore, #tpu.memory_space<semaphore_mem>>) src(%dma_wait3A_413 : memref<32768x768xf32, #tpu.memory_space<hbm>>) dst(%arg11 : memref<16x768xf32, #tpu.memory_space<vmem>>)
    %add3A_414 = arith.constant 64 : i32
    %add3A_415 = arith.addi %mul3A_2, %add3A_414 : i32
    %dma_start3A_416 = arith.constant 0 : i32
    %dma_start3A_417 = tpu.memref_slice %arg4[%add3A_415, %dma_start3A_416] : memref<8192x768xf32, #tpu.memory_space<hbm>> -> memref<16x768xf32, #tpu.memory_space<hbm>>
    %dma_start3A_418 = arith.constant 0 : i32
    %dma_start3A_419 = tpu.memref_slice %arg4[%add3A_415, %dma_start3A_418] : memref<8192x768xf32, #tpu.memory_space<hbm>> -> memref<16x768xf32, #tpu.memory_space<hbm>>
    tpu.enqueue_dma source(%arg11 : memref<16x768xf32, #tpu.memory_space<vmem>>) target(%dma_start3A_419 : memref<16x768xf32, #tpu.memory_space<hbm>>) target_semaphore(%arg27 : memref<!tpu.dma_semaphore, #tpu.memory_space<semaphore_mem>>)
    %dma_wait3A_420 = arith.constant 0 : i32
    %dma_wait3A_421 = tpu.memref_slice %arg4[%add3A_415, %dma_wait3A_420] : memref<8192x768xf32, #tpu.memory_space<hbm>> -> memref<16x768xf32, #tpu.memory_space<hbm>>
    %dma_wait3A_422 = arith.constant 0 : i32
    %dma_wait3A_423 = tpu.memref_slice %arg4[%add3A_415, %dma_wait3A_422] : memref<8192x768xf32, #tpu.memory_space<hbm>> -> memref<16x768xf32, #tpu.memory_space<hbm>>
    tpu.wait_dma2 semaphore(%arg27 : memref<!tpu.dma_semaphore, #tpu.memory_space<semaphore_mem>>) src(%arg11 : memref<16x768xf32, #tpu.memory_space<vmem>>) dst(%dma_wait3A_423 : memref<16x768xf32, #tpu.memory_space<hbm>>)
    %dma_start3A_424 = arith.constant 12 : i32
    %dma_start3A_425 = arith.constant 0 : i32
    %dma_start3A_426 = tpu.memref_slice %arg6[%dma_start3A_424, %dma_start3A_425] : memref<16x16xi32, #tpu.memory_space<vmem>> -> memref<1x16xi32, #tpu.memory_space<vmem>>
    %dma_start3A_427 = tpu.memref_squeeze %dma_start3A_426 : memref<1x16xi32, #tpu.memory_space<vmem>> -> memref<16xi32, #tpu.memory_space<vmem>>
    %dma_start3A_428 = arith.constant 0 : i32
    %dma_start3A_429 = arith.constant 0 : i32
    %dma_start3A_430 = tpu.memref_slice %arg2[%dma_start3A_428, %dma_start3A_429] : memref<32768x768xf32, #tpu.memory_space<hbm>> -> memref<32768x768xf32, #tpu.memory_space<hbm>>
    tpu.enqueue_indirect_dma source(%dma_start3A_430 : memref<32768x768xf32, #tpu.memory_space<hbm>>) target(%arg11 : memref<16x768xf32, #tpu.memory_space<vmem>>) offsets(%dma_start3A_427 : memref<16xi32, #tpu.memory_space<vmem>>) semaphore(%arg19 : memref<!tpu.dma_semaphore, #tpu.memory_space<semaphore_mem>>)
    %dma_wait3A_431 = arith.constant 5 : i32
    %dma_wait3A_432 = arith.constant 0 : i32
    %dma_wait3A_433 = tpu.memref_slice %arg6[%dma_wait3A_431, %dma_wait3A_432] : memref<16x16xi32, #tpu.memory_space<vmem>> -> memref<1x16xi32, #tpu.memory_space<vmem>>
    %dma_wait3A_434 = tpu.memref_squeeze %dma_wait3A_433 : memref<1x16xi32, #tpu.memory_space<vmem>> -> memref<16xi32, #tpu.memory_space<vmem>>
    %dma_wait3A_435 = arith.constant 0 : i32
    %dma_wait3A_436 = arith.constant 0 : i32
    %dma_wait3A_437 = tpu.memref_slice %arg2[%dma_wait3A_435, %dma_wait3A_436] : memref<32768x768xf32, #tpu.memory_space<hbm>> -> memref<32768x768xf32, #tpu.memory_space<hbm>>
    tpu.wait_indirect_dma semaphore(%arg20 : memref<!tpu.dma_semaphore, #tpu.memory_space<semaphore_mem>>) src(%dma_wait3A_437 : memref<32768x768xf32, #tpu.memory_space<hbm>>) dst(%arg12 : memref<16x768xf32, #tpu.memory_space<vmem>>)
    %add3A_438 = arith.constant 80 : i32
    %add3A_439 = arith.addi %mul3A_2, %add3A_438 : i32
    %dma_start3A_440 = arith.constant 0 : i32
    %dma_start3A_441 = tpu.memref_slice %arg4[%add3A_439, %dma_start3A_440] : memref<8192x768xf32, #tpu.memory_space<hbm>> -> memref<16x768xf32, #tpu.memory_space<hbm>>
    %dma_start3A_442 = arith.constant 0 : i32
    %dma_start3A_443 = tpu.memref_slice %arg4[%add3A_439, %dma_start3A_442] : memref<8192x768xf32, #tpu.memory_space<hbm>> -> memref<16x768xf32, #tpu.memory_space<hbm>>
    tpu.enqueue_dma source(%arg12 : memref<16x768xf32, #tpu.memory_space<vmem>>) target(%dma_start3A_443 : memref<16x768xf32, #tpu.memory_space<hbm>>) target_semaphore(%arg28 : memref<!tpu.dma_semaphore, #tpu.memory_space<semaphore_mem>>)
    %dma_wait3A_444 = arith.constant 0 : i32
    %dma_wait3A_445 = tpu.memref_slice %arg4[%add3A_439, %dma_wait3A_444] : memref<8192x768xf32, #tpu.memory_space<hbm>> -> memref<16x768xf32, #tpu.memory_space<hbm>>
    %dma_wait3A_446 = arith.constant 0 : i32
    %dma_wait3A_447 = tpu.memref_slice %arg4[%add3A_439, %dma_wait3A_446] : memref<8192x768xf32, #tpu.memory_space<hbm>> -> memref<16x768xf32, #tpu.memory_space<hbm>>
    tpu.wait_dma2 semaphore(%arg28 : memref<!tpu.dma_semaphore, #tpu.memory_space<semaphore_mem>>) src(%arg12 : memref<16x768xf32, #tpu.memory_space<vmem>>) dst(%dma_wait3A_447 : memref<16x768xf32, #tpu.memory_space<hbm>>)
    %dma_start3A_448 = arith.constant 13 : i32
    %dma_start3A_449 = arith.constant 0 : i32
    %dma_start3A_450 = tpu.memref_slice %arg6[%dma_start3A_448, %dma_start3A_449] : memref<16x16xi32, #tpu.memory_space<vmem>> -> memref<1x16xi32, #tpu.memory_space<vmem>>
    %dma_start3A_451 = tpu.memref_squeeze %dma_start3A_450 : memref<1x16xi32, #tpu.memory_space<vmem>> -> memref<16xi32, #tpu.memory_space<vmem>>
    %dma_start3A_452 = arith.constant 0 : i32
    %dma_start3A_453 = arith.constant 0 : i32
    %dma_start3A_454 = tpu.memref_slice %arg2[%dma_start3A_452, %dma_start3A_453] : memref<32768x768xf32, #tpu.memory_space<hbm>> -> memref<32768x768xf32, #tpu.memory_space<hbm>>
    tpu.enqueue_indirect_dma source(%dma_start3A_454 : memref<32768x768xf32, #tpu.memory_space<hbm>>) target(%arg12 : memref<16x768xf32, #tpu.memory_space<vmem>>) offsets(%dma_start3A_451 : memref<16xi32, #tpu.memory_space<vmem>>) semaphore(%arg20 : memref<!tpu.dma_semaphore, #tpu.memory_space<semaphore_mem>>)
    %dma_wait3A_455 = arith.constant 6 : i32
    %dma_wait3A_456 = arith.constant 0 : i32
    %dma_wait3A_457 = tpu.memref_slice %arg6[%dma_wait3A_455, %dma_wait3A_456] : memref<16x16xi32, #tpu.memory_space<vmem>> -> memref<1x16xi32, #tpu.memory_space<vmem>>
    %dma_wait3A_458 = tpu.memref_squeeze %dma_wait3A_457 : memref<1x16xi32, #tpu.memory_space<vmem>> -> memref<16xi32, #tpu.memory_space<vmem>>
    %dma_wait3A_459 = arith.constant 0 : i32
    %dma_wait3A_460 = arith.constant 0 : i32
    %dma_wait3A_461 = tpu.memref_slice %arg2[%dma_wait3A_459, %dma_wait3A_460] : memref<32768x768xf32, #tpu.memory_space<hbm>> -> memref<32768x768xf32, #tpu.memory_space<hbm>>
    tpu.wait_indirect_dma semaphore(%arg21 : memref<!tpu.dma_semaphore, #tpu.memory_space<semaphore_mem>>) src(%dma_wait3A_461 : memref<32768x768xf32, #tpu.memory_space<hbm>>) dst(%arg13 : memref<16x768xf32, #tpu.memory_space<vmem>>)
    %add3A_462 = arith.constant 96 : i32
    %add3A_463 = arith.addi %mul3A_2, %add3A_462 : i32
    %dma_start3A_464 = arith.constant 0 : i32
    %dma_start3A_465 = tpu.memref_slice %arg4[%add3A_463, %dma_start3A_464] : memref<8192x768xf32, #tpu.memory_space<hbm>> -> memref<16x768xf32, #tpu.memory_space<hbm>>
    %dma_start3A_466 = arith.constant 0 : i32
    %dma_start3A_467 = tpu.memref_slice %arg4[%add3A_463, %dma_start3A_466] : memref<8192x768xf32, #tpu.memory_space<hbm>> -> memref<16x768xf32, #tpu.memory_space<hbm>>
    tpu.enqueue_dma source(%arg13 : memref<16x768xf32, #tpu.memory_space<vmem>>) target(%dma_start3A_467 : memref<16x768xf32, #tpu.memory_space<hbm>>) target_semaphore(%arg29 : memref<!tpu.dma_semaphore, #tpu.memory_space<semaphore_mem>>)
    %dma_wait3A_468 = arith.constant 0 : i32
    %dma_wait3A_469 = tpu.memref_slice %arg4[%add3A_463, %dma_wait3A_468] : memref<8192x768xf32, #tpu.memory_space<hbm>> -> memref<16x768xf32, #tpu.memory_space<hbm>>
    %dma_wait3A_470 = arith.constant 0 : i32
    %dma_wait3A_471 = tpu.memref_slice %arg4[%add3A_463, %dma_wait3A_470] : memref<8192x768xf32, #tpu.memory_space<hbm>> -> memref<16x768xf32, #tpu.memory_space<hbm>>
    tpu.wait_dma2 semaphore(%arg29 : memref<!tpu.dma_semaphore, #tpu.memory_space<semaphore_mem>>) src(%arg13 : memref<16x768xf32, #tpu.memory_space<vmem>>) dst(%dma_wait3A_471 : memref<16x768xf32, #tpu.memory_space<hbm>>)
    %dma_start3A_472 = arith.constant 14 : i32
    %dma_start3A_473 = arith.constant 0 : i32
    %dma_start3A_474 = tpu.memref_slice %arg6[%dma_start3A_472, %dma_start3A_473] : memref<16x16xi32, #tpu.memory_space<vmem>> -> memref<1x16xi32, #tpu.memory_space<vmem>>
    %dma_start3A_475 = tpu.memref_squeeze %dma_start3A_474 : memref<1x16xi32, #tpu.memory_space<vmem>> -> memref<16xi32, #tpu.memory_space<vmem>>
    %dma_start3A_476 = arith.constant 0 : i32
    %dma_start3A_477 = arith.constant 0 : i32
    %dma_start3A_478 = tpu.memref_slice %arg2[%dma_start3A_476, %dma_start3A_477] : memref<32768x768xf32, #tpu.memory_space<hbm>> -> memref<32768x768xf32, #tpu.memory_space<hbm>>
    tpu.enqueue_indirect_dma source(%dma_start3A_478 : memref<32768x768xf32, #tpu.memory_space<hbm>>) target(%arg13 : memref<16x768xf32, #tpu.memory_space<vmem>>) offsets(%dma_start3A_475 : memref<16xi32, #tpu.memory_space<vmem>>) semaphore(%arg21 : memref<!tpu.dma_semaphore, #tpu.memory_space<semaphore_mem>>)
    %dma_wait3A_479 = arith.constant 7 : i32
    %dma_wait3A_480 = arith.constant 0 : i32
    %dma_wait3A_481 = tpu.memref_slice %arg6[%dma_wait3A_479, %dma_wait3A_480] : memref<16x16xi32, #tpu.memory_space<vmem>> -> memref<1x16xi32, #tpu.memory_space<vmem>>
    %dma_wait3A_482 = tpu.memref_squeeze %dma_wait3A_481 : memref<1x16xi32, #tpu.memory_space<vmem>> -> memref<16xi32, #tpu.memory_space<vmem>>
    %dma_wait3A_483 = arith.constant 0 : i32
    %dma_wait3A_484 = arith.constant 0 : i32
    %dma_wait3A_485 = tpu.memref_slice %arg2[%dma_wait3A_483, %dma_wait3A_484] : memref<32768x768xf32, #tpu.memory_space<hbm>> -> memref<32768x768xf32, #tpu.memory_space<hbm>>
    tpu.wait_indirect_dma semaphore(%arg22 : memref<!tpu.dma_semaphore, #tpu.memory_space<semaphore_mem>>) src(%dma_wait3A_485 : memref<32768x768xf32, #tpu.memory_space<hbm>>) dst(%arg14 : memref<16x768xf32, #tpu.memory_space<vmem>>)
    %add3A_486 = arith.constant 112 : i32
    %add3A_487 = arith.addi %mul3A_2, %add3A_486 : i32
    %dma_start3A_488 = arith.constant 0 : i32
    %dma_start3A_489 = tpu.memref_slice %arg4[%add3A_487, %dma_start3A_488] : memref<8192x768xf32, #tpu.memory_space<hbm>> -> memref<16x768xf32, #tpu.memory_space<hbm>>
    %dma_start3A_490 = arith.constant 0 : i32
    %dma_start3A_491 = tpu.memref_slice %arg4[%add3A_487, %dma_start3A_490] : memref<8192x768xf32, #tpu.memory_space<hbm>> -> memref<16x768xf32, #tpu.memory_space<hbm>>
    tpu.enqueue_dma source(%arg14 : memref<16x768xf32, #tpu.memory_space<vmem>>) target(%dma_start3A_491 : memref<16x768xf32, #tpu.memory_space<hbm>>) target_semaphore(%arg30 : memref<!tpu.dma_semaphore, #tpu.memory_space<semaphore_mem>>)
    %dma_wait3A_492 = arith.constant 0 : i32
    %dma_wait3A_493 = tpu.memref_slice %arg4[%add3A_487, %dma_wait3A_492] : memref<8192x768xf32, #tpu.memory_space<hbm>> -> memref<16x768xf32, #tpu.memory_space<hbm>>
    %dma_wait3A_494 = arith.constant 0 : i32
    %dma_wait3A_495 = tpu.memref_slice %arg4[%add3A_487, %dma_wait3A_494] : memref<8192x768xf32, #tpu.memory_space<hbm>> -> memref<16x768xf32, #tpu.memory_space<hbm>>
    tpu.wait_dma2 semaphore(%arg30 : memref<!tpu.dma_semaphore, #tpu.memory_space<semaphore_mem>>) src(%arg14 : memref<16x768xf32, #tpu.memory_space<vmem>>) dst(%dma_wait3A_495 : memref<16x768xf32, #tpu.memory_space<hbm>>)
    %dma_start3A_496 = arith.constant 15 : i32
    %dma_start3A_497 = arith.constant 0 : i32
    %dma_start3A_498 = tpu.memref_slice %arg6[%dma_start3A_496, %dma_start3A_497] : memref<16x16xi32, #tpu.memory_space<vmem>> -> memref<1x16xi32, #tpu.memory_space<vmem>>
    %dma_start3A_499 = tpu.memref_squeeze %dma_start3A_498 : memref<1x16xi32, #tpu.memory_space<vmem>> -> memref<16xi32, #tpu.memory_space<vmem>>
    %dma_start3A_500 = arith.constant 0 : i32
    %dma_start3A_501 = arith.constant 0 : i32
    %dma_start3A_502 = tpu.memref_slice %arg2[%dma_start3A_500, %dma_start3A_501] : memref<32768x768xf32, #tpu.memory_space<hbm>> -> memref<32768x768xf32, #tpu.memory_space<hbm>>
    tpu.enqueue_indirect_dma source(%dma_start3A_502 : memref<32768x768xf32, #tpu.memory_space<hbm>>) target(%arg14 : memref<16x768xf32, #tpu.memory_space<vmem>>) offsets(%dma_start3A_499 : memref<16xi32, #tpu.memory_space<vmem>>) semaphore(%arg22 : memref<!tpu.dma_semaphore, #tpu.memory_space<semaphore_mem>>)
    %dma_wait3A_503 = arith.constant 8 : i32
    %dma_wait3A_504 = arith.constant 0 : i32
    %dma_wait3A_505 = tpu.memref_slice %arg6[%dma_wait3A_503, %dma_wait3A_504] : memref<16x16xi32, #tpu.memory_space<vmem>> -> memref<1x16xi32, #tpu.memory_space<vmem>>
    %dma_wait3A_506 = tpu.memref_squeeze %dma_wait3A_505 : memref<1x16xi32, #tpu.memory_space<vmem>> -> memref<16xi32, #tpu.memory_space<vmem>>
    %dma_wait3A_507 = arith.constant 0 : i32
    %dma_wait3A_508 = arith.constant 0 : i32
    %dma_wait3A_509 = tpu.memref_slice %arg2[%dma_wait3A_507, %dma_wait3A_508] : memref<32768x768xf32, #tpu.memory_space<hbm>> -> memref<32768x768xf32, #tpu.memory_space<hbm>>
    tpu.wait_indirect_dma semaphore(%arg15 : memref<!tpu.dma_semaphore, #tpu.memory_space<semaphore_mem>>) src(%dma_wait3A_509 : memref<32768x768xf32, #tpu.memory_space<hbm>>) dst(%arg7 : memref<16x768xf32, #tpu.memory_space<vmem>>)
    %add3A_510 = arith.constant 128 : i32
    %add3A_511 = arith.addi %mul3A_2, %add3A_510 : i32
    %dma_start3A_512 = arith.constant 0 : i32
    %dma_start3A_513 = tpu.memref_slice %arg4[%add3A_511, %dma_start3A_512] : memref<8192x768xf32, #tpu.memory_space<hbm>> -> memref<16x768xf32, #tpu.memory_space<hbm>>
    %dma_start3A_514 = arith.constant 0 : i32
    %dma_start3A_515 = tpu.memref_slice %arg4[%add3A_511, %dma_start3A_514] : memref<8192x768xf32, #tpu.memory_space<hbm>> -> memref<16x768xf32, #tpu.memory_space<hbm>>
    tpu.enqueue_dma source(%arg7 : memref<16x768xf32, #tpu.memory_space<vmem>>) target(%dma_start3A_515 : memref<16x768xf32, #tpu.memory_space<hbm>>) target_semaphore(%arg23 : memref<!tpu.dma_semaphore, #tpu.memory_space<semaphore_mem>>)
    %dma_wait3A_516 = arith.constant 9 : i32
    %dma_wait3A_517 = arith.constant 0 : i32
    %dma_wait3A_518 = tpu.memref_slice %arg6[%dma_wait3A_516, %dma_wait3A_517] : memref<16x16xi32, #tpu.memory_space<vmem>> -> memref<1x16xi32, #tpu.memory_space<vmem>>
    %dma_wait3A_519 = tpu.memref_squeeze %dma_wait3A_518 : memref<1x16xi32, #tpu.memory_space<vmem>> -> memref<16xi32, #tpu.memory_space<vmem>>
    %dma_wait3A_520 = arith.constant 0 : i32
    %dma_wait3A_521 = arith.constant 0 : i32
    %dma_wait3A_522 = tpu.memref_slice %arg2[%dma_wait3A_520, %dma_wait3A_521] : memref<32768x768xf32, #tpu.memory_space<hbm>> -> memref<32768x768xf32, #tpu.memory_space<hbm>>
    tpu.wait_indirect_dma semaphore(%arg16 : memref<!tpu.dma_semaphore, #tpu.memory_space<semaphore_mem>>) src(%dma_wait3A_522 : memref<32768x768xf32, #tpu.memory_space<hbm>>) dst(%arg8 : memref<16x768xf32, #tpu.memory_space<vmem>>)
    %add3A_523 = arith.constant 144 : i32
    %add3A_524 = arith.addi %mul3A_2, %add3A_523 : i32
    %dma_start3A_525 = arith.constant 0 : i32
    %dma_start3A_526 = tpu.memref_slice %arg4[%add3A_524, %dma_start3A_525] : memref<8192x768xf32, #tpu.memory_space<hbm>> -> memref<16x768xf32, #tpu.memory_space<hbm>>
    %dma_start3A_527 = arith.constant 0 : i32
    %dma_start3A_528 = tpu.memref_slice %arg4[%add3A_524, %dma_start3A_527] : memref<8192x768xf32, #tpu.memory_space<hbm>> -> memref<16x768xf32, #tpu.memory_space<hbm>>
    tpu.enqueue_dma source(%arg8 : memref<16x768xf32, #tpu.memory_space<vmem>>) target(%dma_start3A_528 : memref<16x768xf32, #tpu.memory_space<hbm>>) target_semaphore(%arg24 : memref<!tpu.dma_semaphore, #tpu.memory_space<semaphore_mem>>)
    %dma_wait3A_529 = arith.constant 10 : i32
    %dma_wait3A_530 = arith.constant 0 : i32
    %dma_wait3A_531 = tpu.memref_slice %arg6[%dma_wait3A_529, %dma_wait3A_530] : memref<16x16xi32, #tpu.memory_space<vmem>> -> memref<1x16xi32, #tpu.memory_space<vmem>>
    %dma_wait3A_532 = tpu.memref_squeeze %dma_wait3A_531 : memref<1x16xi32, #tpu.memory_space<vmem>> -> memref<16xi32, #tpu.memory_space<vmem>>
    %dma_wait3A_533 = arith.constant 0 : i32
    %dma_wait3A_534 = arith.constant 0 : i32
    %dma_wait3A_535 = tpu.memref_slice %arg2[%dma_wait3A_533, %dma_wait3A_534] : memref<32768x768xf32, #tpu.memory_space<hbm>> -> memref<32768x768xf32, #tpu.memory_space<hbm>>
    tpu.wait_indirect_dma semaphore(%arg17 : memref<!tpu.dma_semaphore, #tpu.memory_space<semaphore_mem>>) src(%dma_wait3A_535 : memref<32768x768xf32, #tpu.memory_space<hbm>>) dst(%arg9 : memref<16x768xf32, #tpu.memory_space<vmem>>)
    %add3A_536 = arith.constant 160 : i32
    %add3A_537 = arith.addi %mul3A_2, %add3A_536 : i32
    %dma_start3A_538 = arith.constant 0 : i32
    %dma_start3A_539 = tpu.memref_slice %arg4[%add3A_537, %dma_start3A_538] : memref<8192x768xf32, #tpu.memory_space<hbm>> -> memref<16x768xf32, #tpu.memory_space<hbm>>
    %dma_start3A_540 = arith.constant 0 : i32
    %dma_start3A_541 = tpu.memref_slice %arg4[%add3A_537, %dma_start3A_540] : memref<8192x768xf32, #tpu.memory_space<hbm>> -> memref<16x768xf32, #tpu.memory_space<hbm>>
    tpu.enqueue_dma source(%arg9 : memref<16x768xf32, #tpu.memory_space<vmem>>) target(%dma_start3A_541 : memref<16x768xf32, #tpu.memory_space<hbm>>) target_semaphore(%arg25 : memref<!tpu.dma_semaphore, #tpu.memory_space<semaphore_mem>>)
    %dma_wait3A_542 = arith.constant 11 : i32
    %dma_wait3A_543 = arith.constant 0 : i32
    %dma_wait3A_544 = tpu.memref_slice %arg6[%dma_wait3A_542, %dma_wait3A_543] : memref<16x16xi32, #tpu.memory_space<vmem>> -> memref<1x16xi32, #tpu.memory_space<vmem>>
    %dma_wait3A_545 = tpu.memref_squeeze %dma_wait3A_544 : memref<1x16xi32, #tpu.memory_space<vmem>> -> memref<16xi32, #tpu.memory_space<vmem>>
    %dma_wait3A_546 = arith.constant 0 : i32
    %dma_wait3A_547 = arith.constant 0 : i32
    %dma_wait3A_548 = tpu.memref_slice %arg2[%dma_wait3A_546, %dma_wait3A_547] : memref<32768x768xf32, #tpu.memory_space<hbm>> -> memref<32768x768xf32, #tpu.memory_space<hbm>>
    tpu.wait_indirect_dma semaphore(%arg18 : memref<!tpu.dma_semaphore, #tpu.memory_space<semaphore_mem>>) src(%dma_wait3A_548 : memref<32768x768xf32, #tpu.memory_space<hbm>>) dst(%arg10 : memref<16x768xf32, #tpu.memory_space<vmem>>)
    %add3A_549 = arith.constant 176 : i32
    %add3A_550 = arith.addi %mul3A_2, %add3A_549 : i32
    %dma_start3A_551 = arith.constant 0 : i32
    %dma_start3A_552 = tpu.memref_slice %arg4[%add3A_550, %dma_start3A_551] : memref<8192x768xf32, #tpu.memory_space<hbm>> -> memref<16x768xf32, #tpu.memory_space<hbm>>
    %dma_start3A_553 = arith.constant 0 : i32
    %dma_start3A_554 = tpu.memref_slice %arg4[%add3A_550, %dma_start3A_553] : memref<8192x768xf32, #tpu.memory_space<hbm>> -> memref<16x768xf32, #tpu.memory_space<hbm>>
    tpu.enqueue_dma source(%arg10 : memref<16x768xf32, #tpu.memory_space<vmem>>) target(%dma_start3A_554 : memref<16x768xf32, #tpu.memory_space<hbm>>) target_semaphore(%arg26 : memref<!tpu.dma_semaphore, #tpu.memory_space<semaphore_mem>>)
    %dma_wait3A_555 = arith.constant 12 : i32
    %dma_wait3A_556 = arith.constant 0 : i32
    %dma_wait3A_557 = tpu.memref_slice %arg6[%dma_wait3A_555, %dma_wait3A_556] : memref<16x16xi32, #tpu.memory_space<vmem>> -> memref<1x16xi32, #tpu.memory_space<vmem>>
    %dma_wait3A_558 = tpu.memref_squeeze %dma_wait3A_557 : memref<1x16xi32, #tpu.memory_space<vmem>> -> memref<16xi32, #tpu.memory_space<vmem>>
    %dma_wait3A_559 = arith.constant 0 : i32
    %dma_wait3A_560 = arith.constant 0 : i32
    %dma_wait3A_561 = tpu.memref_slice %arg2[%dma_wait3A_559, %dma_wait3A_560] : memref<32768x768xf32, #tpu.memory_space<hbm>> -> memref<32768x768xf32, #tpu.memory_space<hbm>>
    tpu.wait_indirect_dma semaphore(%arg19 : memref<!tpu.dma_semaphore, #tpu.memory_space<semaphore_mem>>) src(%dma_wait3A_561 : memref<32768x768xf32, #tpu.memory_space<hbm>>) dst(%arg11 : memref<16x768xf32, #tpu.memory_space<vmem>>)
    %add3A_562 = arith.constant 192 : i32
    %add3A_563 = arith.addi %mul3A_2, %add3A_562 : i32
    %dma_start3A_564 = arith.constant 0 : i32
    %dma_start3A_565 = tpu.memref_slice %arg4[%add3A_563, %dma_start3A_564] : memref<8192x768xf32, #tpu.memory_space<hbm>> -> memref<16x768xf32, #tpu.memory_space<hbm>>
    %dma_start3A_566 = arith.constant 0 : i32
    %dma_start3A_567 = tpu.memref_slice %arg4[%add3A_563, %dma_start3A_566] : memref<8192x768xf32, #tpu.memory_space<hbm>> -> memref<16x768xf32, #tpu.memory_space<hbm>>
    tpu.enqueue_dma source(%arg11 : memref<16x768xf32, #tpu.memory_space<vmem>>) target(%dma_start3A_567 : memref<16x768xf32, #tpu.memory_space<hbm>>) target_semaphore(%arg27 : memref<!tpu.dma_semaphore, #tpu.memory_space<semaphore_mem>>)
    %dma_wait3A_568 = arith.constant 13 : i32
    %dma_wait3A_569 = arith.constant 0 : i32
    %dma_wait3A_570 = tpu.memref_slice %arg6[%dma_wait3A_568, %dma_wait3A_569] : memref<16x16xi32, #tpu.memory_space<vmem>> -> memref<1x16xi32, #tpu.memory_space<vmem>>
    %dma_wait3A_571 = tpu.memref_squeeze %dma_wait3A_570 : memref<1x16xi32, #tpu.memory_space<vmem>> -> memref<16xi32, #tpu.memory_space<vmem>>
    %dma_wait3A_572 = arith.constant 0 : i32
    %dma_wait3A_573 = arith.constant 0 : i32
    %dma_wait3A_574 = tpu.memref_slice %arg2[%dma_wait3A_572, %dma_wait3A_573] : memref<32768x768xf32, #tpu.memory_space<hbm>> -> memref<32768x768xf32, #tpu.memory_space<hbm>>
    tpu.wait_indirect_dma semaphore(%arg20 : memref<!tpu.dma_semaphore, #tpu.memory_space<semaphore_mem>>) src(%dma_wait3A_574 : memref<32768x768xf32, #tpu.memory_space<hbm>>) dst(%arg12 : memref<16x768xf32, #tpu.memory_space<vmem>>)
    %add3A_575 = arith.constant 208 : i32
    %add3A_576 = arith.addi %mul3A_2, %add3A_575 : i32
    %dma_start3A_577 = arith.constant 0 : i32
    %dma_start3A_578 = tpu.memref_slice %arg4[%add3A_576, %dma_start3A_577] : memref<8192x768xf32, #tpu.memory_space<hbm>> -> memref<16x768xf32, #tpu.memory_space<hbm>>
    %dma_start3A_579 = arith.constant 0 : i32
    %dma_start3A_580 = tpu.memref_slice %arg4[%add3A_576, %dma_start3A_579] : memref<8192x768xf32, #tpu.memory_space<hbm>> -> memref<16x768xf32, #tpu.memory_space<hbm>>
    tpu.enqueue_dma source(%arg12 : memref<16x768xf32, #tpu.memory_space<vmem>>) target(%dma_start3A_580 : memref<16x768xf32, #tpu.memory_space<hbm>>) target_semaphore(%arg28 : memref<!tpu.dma_semaphore, #tpu.memory_space<semaphore_mem>>)
    %dma_wait3A_581 = arith.constant 14 : i32
    %dma_wait3A_582 = arith.constant 0 : i32
    %dma_wait3A_583 = tpu.memref_slice %arg6[%dma_wait3A_581, %dma_wait3A_582] : memref<16x16xi32, #tpu.memory_space<vmem>> -> memref<1x16xi32, #tpu.memory_space<vmem>>
    %dma_wait3A_584 = tpu.memref_squeeze %dma_wait3A_583 : memref<1x16xi32, #tpu.memory_space<vmem>> -> memref<16xi32, #tpu.memory_space<vmem>>
    %dma_wait3A_585 = arith.constant 0 : i32
    %dma_wait3A_586 = arith.constant 0 : i32
    %dma_wait3A_587 = tpu.memref_slice %arg2[%dma_wait3A_585, %dma_wait3A_586] : memref<32768x768xf32, #tpu.memory_space<hbm>> -> memref<32768x768xf32, #tpu.memory_space<hbm>>
    tpu.wait_indirect_dma semaphore(%arg21 : memref<!tpu.dma_semaphore, #tpu.memory_space<semaphore_mem>>) src(%dma_wait3A_587 : memref<32768x768xf32, #tpu.memory_space<hbm>>) dst(%arg13 : memref<16x768xf32, #tpu.memory_space<vmem>>)
    %add3A_588 = arith.constant 224 : i32
    %add3A_589 = arith.addi %mul3A_2, %add3A_588 : i32
    %dma_start3A_590 = arith.constant 0 : i32
    %dma_start3A_591 = tpu.memref_slice %arg4[%add3A_589, %dma_start3A_590] : memref<8192x768xf32, #tpu.memory_space<hbm>> -> memref<16x768xf32, #tpu.memory_space<hbm>>
    %dma_start3A_592 = arith.constant 0 : i32
    %dma_start3A_593 = tpu.memref_slice %arg4[%add3A_589, %dma_start3A_592] : memref<8192x768xf32, #tpu.memory_space<hbm>> -> memref<16x768xf32, #tpu.memory_space<hbm>>
    tpu.enqueue_dma source(%arg13 : memref<16x768xf32, #tpu.memory_space<vmem>>) target(%dma_start3A_593 : memref<16x768xf32, #tpu.memory_space<hbm>>) target_semaphore(%arg29 : memref<!tpu.dma_semaphore, #tpu.memory_space<semaphore_mem>>)
    %dma_wait3A_594 = arith.constant 15 : i32
    %dma_wait3A_595 = arith.constant 0 : i32
    %dma_wait3A_596 = tpu.memref_slice %arg6[%dma_wait3A_594, %dma_wait3A_595] : memref<16x16xi32, #tpu.memory_space<vmem>> -> memref<1x16xi32, #tpu.memory_space<vmem>>
    %dma_wait3A_597 = tpu.memref_squeeze %dma_wait3A_596 : memref<1x16xi32, #tpu.memory_space<vmem>> -> memref<16xi32, #tpu.memory_space<vmem>>
    %dma_wait3A_598 = arith.constant 0 : i32
    %dma_wait3A_599 = arith.constant 0 : i32
    %dma_wait3A_600 = tpu.memref_slice %arg2[%dma_wait3A_598, %dma_wait3A_599] : memref<32768x768xf32, #tpu.memory_space<hbm>> -> memref<32768x768xf32, #tpu.memory_space<hbm>>
    tpu.wait_indirect_dma semaphore(%arg22 : memref<!tpu.dma_semaphore, #tpu.memory_space<semaphore_mem>>) src(%dma_wait3A_600 : memref<32768x768xf32, #tpu.memory_space<hbm>>) dst(%arg14 : memref<16x768xf32, #tpu.memory_space<vmem>>)
    %add3A_601 = arith.constant 240 : i32
    %add3A_602 = arith.addi %mul3A_2, %add3A_601 : i32
    %dma_start3A_603 = arith.constant 0 : i32
    %dma_start3A_604 = tpu.memref_slice %arg4[%add3A_602, %dma_start3A_603] : memref<8192x768xf32, #tpu.memory_space<hbm>> -> memref<16x768xf32, #tpu.memory_space<hbm>>
    %dma_start3A_605 = arith.constant 0 : i32
    %dma_start3A_606 = tpu.memref_slice %arg4[%add3A_602, %dma_start3A_605] : memref<8192x768xf32, #tpu.memory_space<hbm>> -> memref<16x768xf32, #tpu.memory_space<hbm>>
    tpu.enqueue_dma source(%arg14 : memref<16x768xf32, #tpu.memory_space<vmem>>) target(%dma_start3A_606 : memref<16x768xf32, #tpu.memory_space<hbm>>) target_semaphore(%arg30 : memref<!tpu.dma_semaphore, #tpu.memory_space<semaphore_mem>>)
    %dma_wait3A_607 = arith.constant 0 : i32
    %dma_wait3A_608 = tpu.memref_slice %arg4[%add3A_511, %dma_wait3A_607] : memref<8192x768xf32, #tpu.memory_space<hbm>> -> memref<16x768xf32, #tpu.memory_space<hbm>>
    %dma_wait3A_609 = arith.constant 0 : i32
    %dma_wait3A_610 = tpu.memref_slice %arg4[%add3A_511, %dma_wait3A_609] : memref<8192x768xf32, #tpu.memory_space<hbm>> -> memref<16x768xf32, #tpu.memory_space<hbm>>
    tpu.wait_dma2 semaphore(%arg23 : memref<!tpu.dma_semaphore, #tpu.memory_space<semaphore_mem>>) src(%arg7 : memref<16x768xf32, #tpu.memory_space<vmem>>) dst(%dma_wait3A_610 : memref<16x768xf32, #tpu.memory_space<hbm>>)
    %dma_wait3A_611 = arith.constant 0 : i32
    %dma_wait3A_612 = tpu.memref_slice %arg4[%add3A_524, %dma_wait3A_611] : memref<8192x768xf32, #tpu.memory_space<hbm>> -> memref<16x768xf32, #tpu.memory_space<hbm>>
    %dma_wait3A_613 = arith.constant 0 : i32
    %dma_wait3A_614 = tpu.memref_slice %arg4[%add3A_524, %dma_wait3A_613] : memref<8192x768xf32, #tpu.memory_space<hbm>> -> memref<16x768xf32, #tpu.memory_space<hbm>>
    tpu.wait_dma2 semaphore(%arg24 : memref<!tpu.dma_semaphore, #tpu.memory_space<semaphore_mem>>) src(%arg8 : memref<16x768xf32, #tpu.memory_space<vmem>>) dst(%dma_wait3A_614 : memref<16x768xf32, #tpu.memory_space<hbm>>)
    %dma_wait3A_615 = arith.constant 0 : i32
    %dma_wait3A_616 = tpu.memref_slice %arg4[%add3A_537, %dma_wait3A_615] : memref<8192x768xf32, #tpu.memory_space<hbm>> -> memref<16x768xf32, #tpu.memory_space<hbm>>
    %dma_wait3A_617 = arith.constant 0 : i32
    %dma_wait3A_618 = tpu.memref_slice %arg4[%add3A_537, %dma_wait3A_617] : memref<8192x768xf32, #tpu.memory_space<hbm>> -> memref<16x768xf32, #tpu.memory_space<hbm>>
    tpu.wait_dma2 semaphore(%arg25 : memref<!tpu.dma_semaphore, #tpu.memory_space<semaphore_mem>>) src(%arg9 : memref<16x768xf32, #tpu.memory_space<vmem>>) dst(%dma_wait3A_618 : memref<16x768xf32, #tpu.memory_space<hbm>>)
    %dma_wait3A_619 = arith.constant 0 : i32
    %dma_wait3A_620 = tpu.memref_slice %arg4[%add3A_550, %dma_wait3A_619] : memref<8192x768xf32, #tpu.memory_space<hbm>> -> memref<16x768xf32, #tpu.memory_space<hbm>>
    %dma_wait3A_621 = arith.constant 0 : i32
    %dma_wait3A_622 = tpu.memref_slice %arg4[%add3A_550, %dma_wait3A_621] : memref<8192x768xf32, #tpu.memory_space<hbm>> -> memref<16x768xf32, #tpu.memory_space<hbm>>
    tpu.wait_dma2 semaphore(%arg26 : memref<!tpu.dma_semaphore, #tpu.memory_space<semaphore_mem>>) src(%arg10 : memref<16x768xf32, #tpu.memory_space<vmem>>) dst(%dma_wait3A_622 : memref<16x768xf32, #tpu.memory_space<hbm>>)
    %dma_wait3A_623 = arith.constant 0 : i32
    %dma_wait3A_624 = tpu.memref_slice %arg4[%add3A_563, %dma_wait3A_623] : memref<8192x768xf32, #tpu.memory_space<hbm>> -> memref<16x768xf32, #tpu.memory_space<hbm>>
    %dma_wait3A_625 = arith.constant 0 : i32
    %dma_wait3A_626 = tpu.memref_slice %arg4[%add3A_563, %dma_wait3A_625] : memref<8192x768xf32, #tpu.memory_space<hbm>> -> memref<16x768xf32, #tpu.memory_space<hbm>>
    tpu.wait_dma2 semaphore(%arg27 : memref<!tpu.dma_semaphore, #tpu.memory_space<semaphore_mem>>) src(%arg11 : memref<16x768xf32, #tpu.memory_space<vmem>>) dst(%dma_wait3A_626 : memref<16x768xf32, #tpu.memory_space<hbm>>)
    %dma_wait3A_627 = arith.constant 0 : i32
    %dma_wait3A_628 = tpu.memref_slice %arg4[%add3A_576, %dma_wait3A_627] : memref<8192x768xf32, #tpu.memory_space<hbm>> -> memref<16x768xf32, #tpu.memory_space<hbm>>
    %dma_wait3A_629 = arith.constant 0 : i32
    %dma_wait3A_630 = tpu.memref_slice %arg4[%add3A_576, %dma_wait3A_629] : memref<8192x768xf32, #tpu.memory_space<hbm>> -> memref<16x768xf32, #tpu.memory_space<hbm>>
    tpu.wait_dma2 semaphore(%arg28 : memref<!tpu.dma_semaphore, #tpu.memory_space<semaphore_mem>>) src(%arg12 : memref<16x768xf32, #tpu.memory_space<vmem>>) dst(%dma_wait3A_630 : memref<16x768xf32, #tpu.memory_space<hbm>>)
    %dma_wait3A_631 = arith.constant 0 : i32
    %dma_wait3A_632 = tpu.memref_slice %arg4[%add3A_589, %dma_wait3A_631] : memref<8192x768xf32, #tpu.memory_space<hbm>> -> memref<16x768xf32, #tpu.memory_space<hbm>>
    %dma_wait3A_633 = arith.constant 0 : i32
    %dma_wait3A_634 = tpu.memref_slice %arg4[%add3A_589, %dma_wait3A_633] : memref<8192x768xf32, #tpu.memory_space<hbm>> -> memref<16x768xf32, #tpu.memory_space<hbm>>
    tpu.wait_dma2 semaphore(%arg29 : memref<!tpu.dma_semaphore, #tpu.memory_space<semaphore_mem>>) src(%arg13 : memref<16x768xf32, #tpu.memory_space<vmem>>) dst(%dma_wait3A_634 : memref<16x768xf32, #tpu.memory_space<hbm>>)
    %dma_wait3A_635 = arith.constant 0 : i32
    %dma_wait3A_636 = tpu.memref_slice %arg4[%add3A_602, %dma_wait3A_635] : memref<8192x768xf32, #tpu.memory_space<hbm>> -> memref<16x768xf32, #tpu.memory_space<hbm>>
    %dma_wait3A_637 = arith.constant 0 : i32
    %dma_wait3A_638 = tpu.memref_slice %arg4[%add3A_602, %dma_wait3A_637] : memref<8192x768xf32, #tpu.memory_space<hbm>> -> memref<16x768xf32, #tpu.memory_space<hbm>>
    tpu.wait_dma2 semaphore(%arg30 : memref<!tpu.dma_semaphore, #tpu.memory_space<semaphore_mem>>) src(%arg14 : memref<16x768xf32, #tpu.memory_space<vmem>>) dst(%dma_wait3A_638 : memref<16x768xf32, #tpu.memory_space<hbm>>)
    return
  }
}

</mosaic_0001>

<sc_bundles>
// kernel: kernel.3.cloned.1.call-start
scs
__scs_entry_jumppad:
0x0: {  	(pc) =	sbr.rel $0x88, $3  }
0x1: {  	(tag) =	ssettag $0x0;
	lr =	simm.s32 $0x1  }
0x2: {  	[smem:$0x3F9D] =	sst lr;
	_ =	strace $0xD0000000  }
0x3: {  	_ = 	snop  }
0x4: {  	_ = 	snop  }
0x5: {  	_ = 	snop  }
0x6: {  	_ = 	snop  }
0x7: {  	_ = 	snop  }
__scs_overlays_trampoline_lowered:
0x8: {  	[smem:$0x3FAC] =	sst s0  }
0x9: {  	[smem:$0x3FAD] =	sst s1  }
0xa: {  	[smem:$0x3FAE] =	sst s2  }
0xb: {  	[smem:$0x3FAF] =	sst s3  }
0xc: {  	[smem:$0x3FB0] =	sst s4  }
0xd: {  	[smem:$0x3FB1] =	sst s5  }
0xe: {  	[smem:$0x3FB2] =	sst s6  }
0xf: {  	[smem:$0x3FB3] =	sst s7  }
0x10: {  	[smem:$0x3FB4] =	sst s8  }
0x11: {  	[smem:$0x3FB5] =	sst s9;
	s0 =	simm.s32 @!p0 $0x0  }
0x12: {  	s1 =	sld [smem:$0x3F9B];
	s0 =	simm.s32 @p0 $0x1  }
0x13: {  	[smem:$0x3FB6] =	sst s0;
	s0 =	simm.s32 @!p1 $0x0  }
0x14: {  	s2 =	sld [smem:$0x3F9A];
	s0 =	simm.s32 @p1 $0x1  }
0x15: {  	[smem:$0x3FB7] =	sst s0;
	s0 =	simm.s32 @!p2 $0x0  }
0x16: {  	s3 =	sld [smem:$0x3FDB];
	s0 =	simm.s32 @p2 $0x1  }
0x17: {  	s4 =	simm.s32 $0x1BF5;
	[smem:$0x3FB9] =	sst s0  }
0x18: {  	s0 =	sld [smem:$0x3F9C];
	_ =	swait.ge [sflag:s4], $0x0  }
0x19: {  	s7 =	sld [smem:$0x3F9D]  }
0x1a: {  	s8 =	sadd.s32 $0xFFFFE003, lr  }
0x1b: {  	s9 =	sadd.s32 $0xFFFFFEF7, lr;
	s5 =	simm.s32 $0xFFFFFFFF;
	p2 =	slt.u32 s8, $0xFFFFF086  }
0x1c: {  	p1 =	slt.u32 s9, $0xF7A;
	s5 =	simm.s32 @!p2 $0x0  }
0x1d: {  	s5 =	simm.s32 @p1 $0x1;
	p0 =	seq.s32 s7, s2  }
0x1e: {  	s7 =	smul.u32 @!p0 $0xF7A, s2;
	p2 =	seq.s32 @!p0 s5, $0x0  }
0x1f: {  	s9 =	smul.u32 $0xF7A, s1;
	s8 =	simm.s32 @!p0 $0x1BF5;
	p2 =	por !p2, p0  }
0x20: {  	[sflag:s8] =	ssyncset.s32 @!p0 $0xFFFFF086;
	s6 =	sadd.s32 @!p0 s3, s7;
	s7 =	simm.s32 @!p0 $0x108  }
0x21: {  	s3 =	sadd.s32 s3, s9;
	s6 =	sadd.s32 @!p0 $0x88, s6;
	s7 =	simm.s32 @p2 $0x1082  }
0x22: {  	[simem:s7], [sflag:s8] =	dma.local @!p0 [hbm:s6], $0xF7A  }
0x23: {  	s9 =	sor.u32 $0xD0000000, s2;
	s6 =	simm.s32 $0x108;
	_ =	swait.ge @!p0 [sflag:s8], $0x0  }
0x24: {  	s3 =	sadd.s32 $0x88, s3;
	s6 =	simm.s32 @!p1 $0x1082;
	[sflag:s4] =	ssyncset.s32 $0xFFFFF086  }
0x25: {  	[simem:s6], [sflag:s4] =	dma.local [hbm:s3], $0xF7A  }
0x26: {  	[smem:$0x3F9D] =	sst s1;
	(tag) =	ssettag s2;
	_ =	strace s9  }
0x27: {  	s1 =	sld [smem:$0x3FAD]  }
0x28: {  	s2 =	sld [smem:$0x3FAE]  }
0x29: {  	s4 =	sld [smem:$0x3FB0]  }
0x2a: {  	p0 =	seq.s32 s5, $0x0;
	s5 =	sld [smem:$0x3FB1]  }
0x2b: {  	s6 =	sld [smem:$0x3FB2]  }
0x2c: {  	s7 =	sld [smem:$0x3FB3]  }
0x2d: {  	s3 =	simm.s32 $0x108;
	s8 =	sld [smem:$0x3FB4]  }
0x2e: {  	s3 =	simm.s32 @!p0 $0x1082;
	s9 =	sld [smem:$0x3FB5]  }
0x2f: {  	lr =	sadd.s32 s0, s3;
	s0 =	sld [smem:$0x3FAC]  }
0x30: {  	s3 =	sld [smem:$0x3FAF]  }
0x31: {  	[smem:$0x3FB8] =	sst s10  }
0x32: {  	s10 =	sld [smem:$0x3FB6];
	_ =	sdelay $0x3  }
0x33: {  	p0 =	seq.s32 s10, $0x1;
	s10 =	sld [smem:$0x3FB8];
	_ =	sdelay $0x3  }
0x34: {  	[smem:$0x3FB8] =	sst s10  }
0x35: {  	s10 =	sld [smem:$0x3FB7];
	_ =	sdelay $0x3  }
0x36: {  	p1 =	seq.s32 s10, $0x1;
	s10 =	sld [smem:$0x3FB8];
	_ =	sdelay $0x3  }
0x37: {  	[smem:$0x3FB8] =	sst s10  }
0x38: {  	s10 =	sld [smem:$0x3FB9]  }
0x39: {  	_ = 	snop;
	(pc) =	sbr.ind lr, $3  }
0x3a: {  	_ = 	snop  }
0x3b: {  	_ = 	snop  }
0x3c: {  	p2 =	seq.s32 s10, $0x1;
	s10 =	sld [smem:$0x3FB8]  }
0x3d: {  	_ =	shalt  }
0x3e: {  	_ =	shalt  }
0x3f: {  	_ =	shalt  }
0x40: {  	_ =	shalt  }
0x41: {  	_ =	shalt  }
0x42: {  	_ =	shalt  }
0x43: {  	_ =	shalt  }
0x44: {  	_ =	shalt  }
0x45: {  	_ =	shalt  }
0x46: {  	_ =	shalt  }
0x47: {  	_ =	shalt  }
0x48: {  	_ =	shalt  }
0x49: {  	_ =	shalt  }
0x4a: {  	_ =	shalt  }
0x4b: {  	_ =	shalt  }
0x4c: {  	_ =	shalt  }
0x4d: {  	_ =	shalt  }
0x4e: {  	_ =	shalt  }
0x4f: {  	_ =	shalt  }
0x50: {  	_ =	shalt  }
0x51: {  	_ =	shalt  }
0x52: {  	_ =	shalt  }
0x53: {  	_ =	shalt  }
0x54: {  	_ =	shalt  }
0x55: {  	_ =	shalt  }
0x56: {  	_ =	shalt  }
0x57: {  	_ =	shalt  }
0x58: {  	_ =	shalt  }
0x59: {  	_ =	shalt  }
0x5a: {  	_ =	shalt  }
0x5b: {  	_ =	shalt  }
0x5c: {  	_ =	shalt  }
0x5d: {  	_ =	shalt  }
0x5e: {  	_ =	shalt  }
0x5f: {  	_ =	shalt  }
0x60: {  	_ =	shalt  }
0x61: {  	_ =	shalt  }
0x62: {  	_ =	shalt  }
0x63: {  	_ =	shalt  }
0x64: {  	_ =	shalt  }
0x65: {  	_ =	shalt  }
0x66: {  	_ =	shalt  }
0x67: {  	_ =	shalt  }
0x68: {  	_ =	shalt  }
0x69: {  	_ =	shalt  }
0x6a: {  	_ =	shalt  }
0x6b: {  	_ =	shalt  }
0x6c: {  	_ =	shalt  }
0x6d: {  	_ =	shalt  }
0x6e: {  	_ =	shalt  }
0x6f: {  	_ =	shalt  }
0x70: {  	_ =	shalt  }
0x71: {  	_ =	shalt  }
0x72: {  	_ =	shalt  }
0x73: {  	_ =	shalt  }
0x74: {  	_ =	shalt  }
0x75: {  	_ =	shalt  }
0x76: {  	_ =	shalt  }
0x77: {  	_ =	shalt  }
0x78: {  	_ =	shalt  }
0x79: {  	_ =	shalt  }
0x7a: {  	_ =	shalt  }
0x7b: {  	_ =	shalt  }
0x7c: {  	_ =	shalt  }
0x7d: {  	_ =	shalt  }
0x7e: {  	_ =	shalt  }
0x7f: {  	_ =	shalt  }
0x80: {  	_ =	shalt  }
0x81: {  	_ =	shalt  }
0x82: {  	_ =	shalt  }
0x83: {  	_ =	shalt  }
0x84: {  	_ =	shalt  }
0x85: {  	_ =	shalt  }
0x86: {  	_ =	shalt  }
0x87: {  	_ =	shalt  }
.Lfunc_end0:
.L_simem_size_0:
called_computation_lowered:
.L_overlay_start_0:
0x88: {  	s2 =	sld [smem:$0x3FD9]  }
0x89: {  	s3 =	sld [smem:$0x3FFE];
	_ =	sdelay $0x1  }
0x8a: {  	s1 =	srdreg.scid  }
0x8b: {  	s0 =	sand.u32 $0x1, s1  }
0x8c: {  	s15 =	sshll.u32 s0, $0xA;
	s2 =	sadd.s32 s3, s2  }
0x8d: {  	s2 =	sadd.s32 s2, s15  }
0x8e: {  	[smem:$0x3FC4] =	sst s2  }
0x8f: {  	_ = 	snop  }
0x90: {  	s2 =	sld [smem:$0x3FD0];
	_ =	sdelay $0x1  }
0x91: {  	s16 =	sld [smem:$0x3FC9]  }
0x92: {  	s5 =	simm.s32 $0xA;
	s6 =	simm.s32 $0x10;
	s4 =	sld [smem:$0x3FC8]  }
0x93: {  	[smem:s6], [sflag:s5] =	dma.local [hbm:s2], $0x1  }
0x94: {  	_ =	swait.eq [sflag:s5], $0x1  }
0x95: {  	[sflag:s5] =	ssyncset.done $0x0  }
0x96: {  	[sflag:s5] =	ssyncadd.s32 $0xFFFFFFFF  }
0x97: {  	s17 =	sld [smem:$0x10];
	(tm) =	ssettm $0x1  }
0x98: {  	s18 =	sld [smem:$0x3FFB];
	_ =	sdelay $0x3  }
0x99: {  	_ =	strace s18  }
0x9a: {  	s5 =	sld [smem:$0x3FFC];
	_ =	sdelay $0x3  }
0x9b: {  	_ =	strace s5  }
0x9c: {  	s5 =	sld [smem:$0x3FFD];
	_ =	sdelay $0x3  }
0x9d: {  	_ =	strace s5  }
0x9e: {  	_ =	strace $0x8FFFFFFF  }
0x9f: {  	s19 =	sld [smem:$0x3FDB];
	_ =	sdelay $0x1  }
0xa0: {  	s20 =	simm.s32 $_scs_section_size  }
0xa1: {  	s7 =	simm.s32 $_size__tile_overlayer_lowered;
	s8 =	simm.s32 $_tile_overlayer_lowered  }
0xa2: {  	s23 =	simm.s32 $0x1BFF;
	s22 =	sshll.u32 s8, $0x1;
	s5 =	sadd.s32 s20, s19  }
0xa3: {  	s9 =	simm.s32 $0x0;
	s21 =	sshll.u32 s7, $0x1;
	s7 =	sadd.s32 s22, s5  }
0xa4: {  	[timem:s9], [sflag:s23] =	dma.local [hbm:s7], s21  }
0xa5: {  	_ =	swait.ge [sflag:s23], s21  }
0xa6: {  	s6 =	ssub.s32 $0x0, s21;
	[sflag:s23] =	ssyncset.done $0x0  }
0xa7: {  	[sflag:s23] =	ssyncadd.s32 s6;
	_ =	sdelay $0x1  }
0xa8: {  	s24 =	simm.s32 $0x1B8B  }
0xa9: {  	_ =	swait.ge [sflag:s24], $0x1  }
0xaa: {  	[sflag:s24] =	ssyncset.done $0x0  }
0xab: {  	s25 =	simm.s32 $0x1B8E;
	[sflag:s24] =	ssyncadd.s32 $0xFFFFFFFF  }
0xac: {  	s26 =	simm.s32 $execute0_lowered;
	[smem:$0x3FD2] =	sst s25  }
0xad: {  	s6 =	sshll.u32 s26, $0x1;
	_ =	strace $0x80000046;
	[dreg:$0x1] =	wrdreg $0xFFFFFFFF  }
0xae: {  	s28 =	simm.s32 $_size_execute0_lowered;
	s5 =	sadd.s32 s5, s6;
	[dreg:$0x0] =	wrdreg $0x0  }
0xaf: {  	s6 =	sshll.u32 s28, $0x1;
	[dreg:$0x2] =	wrdreg s5  }
0xb0: {  	[dreg:$0x3] =	wrdreg s6  }
0xb1: {  	[dreg:$0x4] =	wrdreg $0xC0  }
0xb2: {  	_ =	task [dreg:s9], $0x5FFFF  }
0xb3: {  	[dreg:$0x1] =	wrdreg $0xFFFFFFFF  }
0xb4: {  	[dreg:$0x0] =	wrdreg $0x60  }
0xb5: {  	[dreg:$0x2] =	wrdreg s16  }
0xb6: {  	[dreg:$0x3] =	wrdreg s4  }
0xb7: {  	[dreg:$0x4] =	wrdreg s17  }
0xb8: {  	[dreg:$0x5] =	wrdreg $0x9  }
0xb9: {  	_ =	task.clear_ibuf [dreg:s9], $0x6FFFF;
	_ =	strace $0x90000046  }
0xba: {  	s29 =	simm.s32 $0x9;
	_ =	strace $0x80000048  }
0xbb: {  	_ =	swait.ge [sflag:s29], $0x1  }
0xbc: {  	[sflag:s29] =	ssyncadd.s32 $0xFFFFFFFF  }
0xbd: {  	_ =	strace $0x90000048  }
0xbe: {  	_ =	sfence  }
0xbf: {  	s30 =	sld [smem:$0x0];
	_ =	sdelay $0x2  }
0xc0: {  	s31 =	sshll.u32 s1, $0xD;
	s1 =	sshrl.u32 s1, $0x2  }
0xc1: {  	s3 =	sand.u32 $0x4000, s31;
	s1 =	sadd.s32 s1, s30  }
0xc2: {  	s0 =	sor.u32 s3, s0;
	s1 =	sshll.u32 s1, $0x11  }
0xc3: {  	s0 =	sor.u32 s1, s0  }
0xc4: {  	s0 =	sadd.s32 $0x8F2B, s0  }
0xc5: {  	[sflag:s0] =	ssyncadd.remote.s32 $0x1  }
0xc6: {  	_ =	sfence.sel $0xFFFF  }
0xc7: {  	[dreg:$0x0] =	wrdreg $0xFFFFFFFF;
	(pc) =	sbr.abs _section_cstart, $3  }
0xc8: {  	[dreg:$0x1] =	wrdreg $0xFFFFFFFF  }
0xc9: {  	_ =	task.clear_ibuf [dreg:s9], $0x2FFFF;
	_ =	strace $0x9FFFFFFF  }
0xca: {  	(tm) =	ssettm $0x7FFFFFFF  }
0xcb: {  	_ =	shalt  }
tec
execute0_lowered:
.L_overlay_start_1:
0x0: {  	(tag) =	ssettag $0x1  }
0x1: {  	s0 =	srdreg.scid  }
0x2: {  	s3 =	stileid.u32;
	s0 =	sand.u32 $0x1, s0  }
0x3: {  	s1 =	rddreg [dreg:$0x0];
	s3 =	sshll.u32 s3, $0x6;
	s4 =	sshll.u32 s0, $0x5  }
0x4: {  	s2 =	rddreg [dreg:$0x1];
	s4 =	sor.u32 s4, s3  }
0x5: {  	s5 =	rddreg [dreg:$0x2];
	s3 =	simm.s32 $0x0;
	s6 =	smul.u32 $0x300, s4  }
0x6: {  	[smem:$0x7FF] =	sst s3;
	s2 =	sadd.s32 s2, s4  }
0x7: {  	_ =	strace $0x80000047;
	[dreg:$0x4] =	wrdreg s2;
	s6 =	sadd.s32 s5, s6  }
0x8: {  	s12 =	sadd.s32 $0x600, s6;
	[dreg:$0x14] =	wrdreg s6  }
0x9: {  	s4 =	smul.u32 $0x1800, s4;
	s13 =	sadd.s32 $0xC00, s6;
	[dreg:$0x5] =	wrdreg s12  }
0xa: {  	s29 =	simm.s32 $0x9100;
	s14 =	sadd.s32 $0x1200, s6;
	[dreg:$0x6] =	wrdreg s13  }
0xb: {  	s4 =	sshrl.u32 s4, $0x3;
	s15 =	sadd.s32 $0x1800, s6;
	[dreg:$0x7] =	wrdreg s14  }
0xc: {  	s16 =	sadd.s32 $0x1E00, s6;
	s4 =	sadd.s32 s5, s4;
	[dreg:$0x8] =	wrdreg s15  }
0xd: {  	s31 =	simm.s32 $0xA100;
	[dreg:$0x9] =	wrdreg s16;
	s17 =	sadd.s32 $0x2400, s4  }
0xe: {  	s11 =	simm.s32 $0x12900;
	s18 =	sadd.s32 $0x2A00, s4;
	[dreg:$0xa] =	wrdreg s17  }
0xf: {  	s0 =	ssub.s32 $0x2, s0;
	s19 =	sadd.s32 $0x3000, s4;
	[dreg:$0xb] =	wrdreg s18  }
0x10: {  	s25 =	sshrl.u32 s0, $0x1;
	s20 =	sadd.s32 $0x3600, s4;
	[dreg:$0xc] =	wrdreg s19  }
0x11: {  	s0 =	ssub.s32 s0, s25;
	s21 =	sadd.s32 $0x3C00, s4;
	[dreg:$0xd] =	wrdreg s20  }
0x12: {  	s30 =	smax.u32 s0, $0x1;
	s22 =	sadd.s32 $0x4200, s4;
	[dreg:$0xe] =	wrdreg s21  }
0x13: {  	v0 =	vlaneseq.u32;
	s2 =	simm.s32 $0x9;
	s23 =	sadd.s32 $0x4800, s4;
	[dreg:$0xf] =	wrdreg s22  }
0x14: {  	vm0 =	vmmov $0xffff;
	v1 =	vor.u32 $0x10, v0;
	v2 =	vor.u32 $0x20, v0;
	s5 =	sadd.s32 $0x100, s1;
	s24 =	sadd.s32 $0x4E00, s4;
	[dreg:$0x10] =	wrdreg s23  }
0x15: {  	v3 =	vor.u32 $0x30, v0;
	v4 =	vor.u32 $0x40, v0;
	v5 =	vor.u32 $0x50, v0;
	s6 =	sadd.s32 $0x200, s1;
	s26 =	sadd.s32 $0x5400, s4;
	[dreg:$0x11] =	wrdreg s24  }
0x16: {  	v6 =	vor.u32 $0x60, v0;
	v7 =	vor.u32 $0x70, v0;
	v9 =	vshrl.u32 v0, $0x3;
	s28 =	sadd.s32 $0x5A00, s4;
	s15 =	simm.s32 $0xC900;
	[dreg:$0x12] =	wrdreg s26  }
0x17: {  	v8 =	vand.u32 $0x7, v0;
	v10 =	vor.u32 $0x8, v0;
	v9 =	vmul.u32 $0x8, v9;
	s13 =	simm.s32 $0xF900;
	s4 =	simm.s32 $0x15900;
	[dreg:$0x13] =	wrdreg s28  }
.LBB2_1:
0x18: {  	s14 =	rddreg [dreg:$0x4];
	s8 =	simm.s32 $0x11  }
0x19: {  	[tilespmem:s3], [sflag:$0x11] =	stream.linear.gather [hbm4b:s14+s3], $0x100, $0x38;
	[tilespmem:$0x18900] =	vst v63  }
0x1a: {  	_ =	swait.ge [sflag:s8], $0x100  }
0x1b: {  	[sflag:s8] =	ssyncset.done $0x0  }
0x1c: {  	[sflag:s8] =	ssyncadd.s32 $0xFFFFFF00  }
0x1d: {  	v11 =	vld [tilespmem:$0x0]  }
0x1e: {  	v12 =	vld [tilespmem:$0x10]  }
0x1f: {  	v13 =	vld [tilespmem:$0x20]  }
0x20: {  	v14 =	vld [tilespmem:$0x30]  }
0x21: {  	v15 =	vld [tilespmem:$0x40]  }
0x22: {  	v16 =	vld [tilespmem:$0x50];
	v11 =	vshll.u32 v11, $0x7  }
0x23: {  	v17 =	vld [tilespmem:$0x60];
	v12 =	vshll.u32 v12, $0x7;
	v11 =	vor.u32 v0, v11  }
0x24: {  	v18 =	vld [tilespmem:$0x70];
	v13 =	vshll.u32 v13, $0x7;
	v12 =	vor.u32 v1, v12;
	[tilespmem:$0x100] =	vst v11  }
0x25: {  	v57 =	vld [tilespmem:$0x80];
	v56 =	vshll.u32 v14, $0x7;
	v55 =	vor.u32 v2, v13;
	[tilespmem:$0x180] =	vst v12  }
0x26: {  	v60 =	vld [tilespmem:$0x90];
	v59 =	vshll.u32 v15, $0x7;
	v58 =	vor.u32 v3, v56;
	[tilespmem:$0x200] =	vst v55  }
0x27: {  	v63 =	vld [tilespmem:$0xA0];
	v62 =	vshll.u32 v16, $0x7;
	v61 =	vor.u32 v4, v59;
	[tilespmem:$0x280] =	vst v58  }
0x28: {  	v23 =	vld [tilespmem:$0xB0];
	v22 =	vshll.u32 v17, $0x7;
	v21 =	vor.u32 v5, v62;
	[tilespmem:$0x300] =	vst v61  }
0x29: {  	v26 =	vld [tilespmem:$0xC0];
	v25 =	vshll.u32 v18, $0x7;
	v24 =	vor.u32 v6, v22;
	[tilespmem:$0x380] =	vst v21;
	v11 =	vshrl.u32 v11, $0x3  }
0x2a: {  	v29 =	vld [tilespmem:$0xD0];
	v28 =	vshll.u32 v57, $0x7;
	v27 =	vor.u32 v7, v25;
	[tilespmem:$0x400] =	vst v24;
	v11 =	vmul.u32 $0x30, v11  }
0x2b: {  	v32 =	vld [tilespmem:$0xE0];
	v31 =	vshll.u32 v60, $0x7;
	v30 =	vor.u32 v0, v28;
	[tilespmem:$0x480] =	vst v27  }
0x2c: {  	v35 =	vld [tilespmem:$0xF0];
	v34 =	vshll.u32 v63, $0x7;
	v33 =	vor.u32 v1, v31;
	[tilespmem:$0x500] =	vst v30;
	v11 =	vor.u32 v8, v11  }
0x2d: {  	v37 =	vshll.u32 v23, $0x7;
	v36 =	vor.u32 v2, v34;
	[tilespmem:$0x580] =	vst v33;
	v38 =	vperm.xlane v11, v8  }
0x2e: {  	v40 =	vshll.u32 v26, $0x7;
	v39 =	vor.u32 v3, v37;
	[tilespmem:$0x600] =	vst v36  }
0x2f: {  	v42 =	vshll.u32 v29, $0x7;
	v41 =	vor.u32 v4, v40;
	[tilespmem:$0x680] =	vst v39;
	v43 =	vadd.s32 v9, v38  }
0x30: {  	v45 =	vshll.u32 v32, $0x7;
	v44 =	vor.u32 v5, v42;
	[tilespmem:$0x700] =	vst v41  }
0x31: {  	v47 =	vshll.u32 v35, $0x7;
	v46 =	vor.u32 v6, v45;
	[tilespmem:$0x780] =	vst v44  }
0x32: {  	v48 =	vor.u32 v7, v47;
	[tilespmem:$0x800] =	vst v46  }
0x33: {  	s0 =	simm.s32 $0x900;
	[tilespmem:$0x880] =	vst v48;
	v11 =	vperm.xlane v11, v10  }
0x34: {  	[tilespmem:s0], [sflag:$0x1] =	stream.indirect_vreg.gather [hbm4b:s1+s3], $0x80, v43, vm0, $0xb8;
	[tilespmem:$0x18900] =	vst v63  }
0x35: {  	s8 =	simm.s32 $0x1100;
	v11 =	vadd.s32 v9, v11  }
0x36: {  	[tilespmem:s8], [sflag:$0x1] =	stream.indirect_vreg.gather [hbm4b:s5+s3], $0x80, v43, vm0, $0xb8;
	[tilespmem:$0x18900] =	vst v63  }
0x37: {  	s9 =	simm.s32 $0x1900  }
0x38: {  	[tilespmem:s9], [sflag:$0x1] =	stream.indirect_vreg.gather [hbm4b:s6+s3], $0x80, v43, vm0, $0xb8;
	[tilespmem:$0x18900] =	vst v63  }
0x39: {  	s21 =	simm.s32 $0x2100  }
0x3a: {  	[tilespmem:s21], [sflag:$0x1] =	stream.indirect_vreg.gather [hbm4b:s1+s3], $0x80, v11, vm0, $0xb8;
	[tilespmem:$0x18900] =	vst v63  }
0x3b: {  	s28 =	simm.s32 $0x2900  }
0x3c: {  	[tilespmem:s28], [sflag:$0x1] =	stream.indirect_vreg.gather [hbm4b:s5+s3], $0x80, v11, vm0, $0xb8;
	[tilespmem:$0x18900] =	vst v63  }
0x3d: {  	s10 =	simm.s32 $0x3100  }
0x3e: {  	[tilespmem:s10], [sflag:$0x1] =	stream.indirect_vreg.gather [hbm4b:s6+s3], $0x80, v11, vm0, $0xb8;
	[tilespmem:$0x18900] =	vst v63  }
0x3f: {  	v11 =	vld [tilespmem:$0x180];
	_ =	sdelay $0x4  }
0x40: {  	v49 =	vshrl.u32 v11, $0x3  }
0x41: {  	v12 =	vmul.u32 $0x30, v49  }
0x42: {  	v11 =	vand.u32 $0x7, v11  }
0x43: {  	v11 =	vor.u32 v11, v12  }
0x44: {  	v12 =	vperm.xlane v11, v8;
	_ =	sdelay $0x1  }
0x45: {  	v12 =	vadd.s32 v9, v12;
	_ =	sdelay $0x3  }
0x46: {  	s12 =	simm.s32 $0x3900;
	v11 =	vperm.xlane v11, v10  }
0x47: {  	[tilespmem:s12], [sflag:$0x2] =	stream.indirect_vreg.gather [hbm4b:s1+s3], $0x80, v12, vm0, $0xb8;
	[tilespmem:$0x18900] =	vst v63  }
0x48: {  	s24 =	simm.s32 $0x4100;
	v11 =	vadd.s32 v9, v11  }
0x49: {  	[tilespmem:s24], [sflag:$0x2] =	stream.indirect_vreg.gather [hbm4b:s5+s3], $0x80, v12, vm0, $0xb8;
	[tilespmem:$0x18900] =	vst v63  }
0x4a: {  	s12 =	simm.s32 $0x4900  }
0x4b: {  	[tilespmem:s12], [sflag:$0x2] =	stream.indirect_vreg.gather [hbm4b:s6+s3], $0x80, v12, vm0, $0xb8;
	[tilespmem:$0x18900] =	vst v63  }
0x4c: {  	s16 =	simm.s32 $0x5100  }
0x4d: {  	[tilespmem:s16], [sflag:$0x2] =	stream.indirect_vreg.gather [hbm4b:s1+s3], $0x80, v11, vm0, $0xb8;
	[tilespmem:$0x18900] =	vst v63  }
0x4e: {  	s18 =	simm.s32 $0x5900  }
0x4f: {  	[tilespmem:s18], [sflag:$0x2] =	stream.indirect_vreg.gather [hbm4b:s5+s3], $0x80, v11, vm0, $0xb8;
	[tilespmem:$0x18900] =	vst v63  }
0x50: {  	s19 =	simm.s32 $0x6100  }
0x51: {  	[tilespmem:s19], [sflag:$0x2] =	stream.indirect_vreg.gather [hbm4b:s6+s3], $0x80, v11, vm0, $0xb8;
	[tilespmem:$0x18900] =	vst v63  }
0x52: {  	v11 =	vld [tilespmem:$0x200];
	_ =	sdelay $0x4  }
0x53: {  	v50 =	vshrl.u32 v11, $0x3  }
0x54: {  	v12 =	vmul.u32 $0x30, v50  }
0x55: {  	v11 =	vand.u32 $0x7, v11  }
0x56: {  	v11 =	vor.u32 v11, v12  }
0x57: {  	v12 =	vperm.xlane v11, v8;
	_ =	sdelay $0x1  }
0x58: {  	v12 =	vadd.s32 v9, v12;
	_ =	sdelay $0x3  }
0x59: {  	s14 =	simm.s32 $0x6900;
	v11 =	vperm.xlane v11, v10  }
0x5a: {  	[tilespmem:s14], [sflag:$0x3] =	stream.indirect_vreg.gather [hbm4b:s1+s3], $0x80, v12, vm0, $0xb8;
	[tilespmem:$0x18900] =	vst v63  }
0x5b: {  	s22 =	simm.s32 $0x7100;
	v11 =	vadd.s32 v9, v11  }
0x5c: {  	[tilespmem:s22], [sflag:$0x3] =	stream.indirect_vreg.gather [hbm4b:s5+s3], $0x80, v12, vm0, $0xb8;
	[tilespmem:$0x18900] =	vst v63  }
0x5d: {  	s23 =	simm.s32 $0x7900  }
0x5e: {  	[tilespmem:s23], [sflag:$0x3] =	stream.indirect_vreg.gather [hbm4b:s6+s3], $0x80, v12, vm0, $0xb8;
	[tilespmem:$0x18900] =	vst v63  }
0x5f: {  	s25 =	simm.s32 $0x8100  }
0x60: {  	[tilespmem:s25], [sflag:$0x3] =	stream.indirect_vreg.gather [hbm4b:s1+s3], $0x80, v11, vm0, $0xb8;
	[tilespmem:$0x18900] =	vst v63  }
0x61: {  	s26 =	simm.s32 $0x8900  }
0x62: {  	[tilespmem:s26], [sflag:$0x3] =	stream.indirect_vreg.gather [hbm4b:s5+s3], $0x80, v11, vm0, $0xb8;
	[tilespmem:$0x18900] =	vst v63  }
0x63: {  	_ = 	snop  }
0x64: {  	[tilespmem:s29], [sflag:$0x3] =	stream.indirect_vreg.gather [hbm4b:s6+s3], $0x80, v11, vm0, $0xb8;
	[tilespmem:$0x18900] =	vst v63  }
0x65: {  	v11 =	vld [tilespmem:$0x280];
	_ =	sdelay $0x4  }
0x66: {  	v51 =	vshrl.u32 v11, $0x3  }
0x67: {  	v12 =	vmul.u32 $0x30, v51  }
0x68: {  	v11 =	vand.u32 $0x7, v11  }
0x69: {  	v11 =	vor.u32 v11, v12  }
0x6a: {  	v12 =	vperm.xlane v11, v8;
	_ =	sdelay $0x1  }
0x6b: {  	v12 =	vadd.s32 v9, v12;
	_ =	sdelay $0x3  }
0x6c: {  	s17 =	simm.s32 $0x9900;
	v11 =	vperm.xlane v11, v10  }
0x6d: {  	[tilespmem:s17], [sflag:$0x4] =	stream.indirect_vreg.gather [hbm4b:s1+s3], $0x80, v12, vm0, $0xb8;
	[tilespmem:$0x18900] =	vst v63  }
0x6e: {  	v11 =	vadd.s32 v9, v11  }
0x6f: {  	[tilespmem:s31], [sflag:$0x4] =	stream.indirect_vreg.gather [hbm4b:s5+s3], $0x80, v12, vm0, $0xb8;
	[tilespmem:$0x18900] =	vst v63  }
0x70: {  	s17 =	simm.s32 $0xA900  }
0x71: {  	[tilespmem:s17], [sflag:$0x4] =	stream.indirect_vreg.gather [hbm4b:s6+s3], $0x80, v12, vm0, $0xb8;
	[tilespmem:$0x18900] =	vst v63  }
0x72: {  	s20 =	simm.s32 $0xB100  }
0x73: {  	[tilespmem:s20], [sflag:$0x4] =	stream.indirect_vreg.gather [hbm4b:s1+s3], $0x80, v11, vm0, $0xb8;
	[tilespmem:$0x18900] =	vst v63  }
0x74: {  	s20 =	simm.s32 $0xB900  }
0x75: {  	[tilespmem:s20], [sflag:$0x4] =	stream.indirect_vreg.gather [hbm4b:s5+s3], $0x80, v11, vm0, $0xb8;
	[tilespmem:$0x18900] =	vst v63  }
0x76: {  	s7 =	simm.s32 $0xC100  }
0x77: {  	[tilespmem:s7], [sflag:$0x4] =	stream.indirect_vreg.gather [hbm4b:s6+s3], $0x80, v11, vm0, $0xb8;
	[tilespmem:$0x18900] =	vst v63  }
0x78: {  	v11 =	vld [tilespmem:$0x300];
	_ =	sdelay $0x4  }
0x79: {  	v52 =	vshrl.u32 v11, $0x3  }
0x7a: {  	v12 =	vmul.u32 $0x30, v52  }
0x7b: {  	v11 =	vand.u32 $0x7, v11  }
0x7c: {  	v11 =	vor.u32 v11, v12  }
0x7d: {  	v12 =	vperm.xlane v11, v8;
	_ =	sdelay $0x1  }
0x7e: {  	v12 =	vadd.s32 v9, v12;
	_ =	sdelay $0x3  }
0x7f: {  	v11 =	vperm.xlane v11, v10  }
0x80: {  	[tilespmem:s15], [sflag:$0x5] =	stream.indirect_vreg.gather [hbm4b:s1+s3], $0x80, v12, vm0, $0xb8;
	[tilespmem:$0x18900] =	vst v63  }
0x81: {  	s14 =	simm.s32 $0xD100;
	v11 =	vadd.s32 v9, v11  }
0x82: {  	[tilespmem:s14], [sflag:$0x5] =	stream.indirect_vreg.gather [hbm4b:s5+s3], $0x80, v12, vm0, $0xb8;
	[tilespmem:$0x18900] =	vst v63  }
0x83: {  	s7 =	simm.s32 $0xD900  }
0x84: {  	[tilespmem:s7], [sflag:$0x5] =	stream.indirect_vreg.gather [hbm4b:s6+s3], $0x80, v12, vm0, $0xb8;
	[tilespmem:$0x18900] =	vst v63  }
0x85: {  	s14 =	simm.s32 $0xE100  }
0x86: {  	[tilespmem:s14], [sflag:$0x5] =	stream.indirect_vreg.gather [hbm4b:s1+s3], $0x80, v11, vm0, $0xb8;
	[tilespmem:$0x18900] =	vst v63  }
0x87: {  	s7 =	simm.s32 $0xE900  }
0x88: {  	[tilespmem:s7], [sflag:$0x5] =	stream.indirect_vreg.gather [hbm4b:s5+s3], $0x80, v11, vm0, $0xb8;
	[tilespmem:$0x18900] =	vst v63  }
0x89: {  	s14 =	simm.s32 $0xF100  }
0x8a: {  	[tilespmem:s14], [sflag:$0x5] =	stream.indirect_vreg.gather [hbm4b:s6+s3], $0x80, v11, vm0, $0xb8;
	[tilespmem:$0x18900] =	vst v63  }
0x8b: {  	v11 =	vld [tilespmem:$0x380];
	_ =	sdelay $0x4  }
0x8c: {  	v53 =	vshrl.u32 v11, $0x3  }
0x8d: {  	v12 =	vmul.u32 $0x30, v53  }
0x8e: {  	v11 =	vand.u32 $0x7, v11  }
0x8f: {  	v11 =	vor.u32 v11, v12  }
0x90: {  	v12 =	vperm.xlane v11, v8;
	_ =	sdelay $0x1  }
0x91: {  	v12 =	vadd.s32 v9, v12;
	_ =	sdelay $0x3  }
0x92: {  	v11 =	vperm.xlane v11, v10  }
0x93: {  	[tilespmem:s13], [sflag:$0x6] =	stream.indirect_vreg.gather [hbm4b:s1+s3], $0x80, v12, vm0, $0xb8;
	[tilespmem:$0x18900] =	vst v63  }
0x94: {  	s7 =	simm.s32 $0x10100;
	v11 =	vadd.s32 v9, v11  }
0x95: {  	[tilespmem:s7], [sflag:$0x6] =	stream.indirect_vreg.gather [hbm4b:s5+s3], $0x80, v12, vm0, $0xb8;
	[tilespmem:$0x18900] =	vst v63  }
0x96: {  	s14 =	simm.s32 $0x10900  }
0x97: {  	[tilespmem:s14], [sflag:$0x6] =	stream.indirect_vreg.gather [hbm4b:s6+s3], $0x80, v12, vm0, $0xb8;
	[tilespmem:$0x18900] =	vst v63  }
0x98: {  	s7 =	simm.s32 $0x11100  }
0x99: {  	[tilespmem:s7], [sflag:$0x6] =	stream.indirect_vreg.gather [hbm4b:s1+s3], $0x80, v11, vm0, $0xb8;
	[tilespmem:$0x18900] =	vst v63  }
0x9a: {  	s14 =	simm.s32 $0x11900  }
0x9b: {  	[tilespmem:s14], [sflag:$0x6] =	stream.indirect_vreg.gather [hbm4b:s5+s3], $0x80, v11, vm0, $0xb8;
	[tilespmem:$0x18900] =	vst v63  }
0x9c: {  	s7 =	simm.s32 $0x12100  }
0x9d: {  	[tilespmem:s7], [sflag:$0x6] =	stream.indirect_vreg.gather [hbm4b:s6+s3], $0x80, v11, vm0, $0xb8;
	[tilespmem:$0x18900] =	vst v63  }
0x9e: {  	v11 =	vld [tilespmem:$0x400];
	_ =	sdelay $0x4  }
0x9f: {  	v54 =	vshrl.u32 v11, $0x3  }
0xa0: {  	v12 =	vmul.u32 $0x30, v54  }
0xa1: {  	v11 =	vand.u32 $0x7, v11  }
0xa2: {  	v11 =	vor.u32 v11, v12  }
0xa3: {  	v12 =	vperm.xlane v11, v8;
	_ =	sdelay $0x1  }
0xa4: {  	v12 =	vadd.s32 v9, v12;
	_ =	sdelay $0x3  }
0xa5: {  	v11 =	vperm.xlane v11, v10  }
0xa6: {  	[tilespmem:s11], [sflag:$0x7] =	stream.indirect_vreg.gather [hbm4b:s1+s3], $0x80, v12, vm0, $0xb8;
	[tilespmem:$0x18900] =	vst v63  }
0xa7: {  	s14 =	simm.s32 $0x13100;
	v11 =	vadd.s32 v9, v11  }
0xa8: {  	[tilespmem:s14], [sflag:$0x7] =	stream.indirect_vreg.gather [hbm4b:s5+s3], $0x80, v12, vm0, $0xb8;
	[tilespmem:$0x18900] =	vst v63  }
0xa9: {  	s7 =	simm.s32 $0x13900  }
0xaa: {  	[tilespmem:s7], [sflag:$0x7] =	stream.indirect_vreg.gather [hbm4b:s6+s3], $0x80, v12, vm0, $0xb8;
	[tilespmem:$0x18900] =	vst v63  }
0xab: {  	s14 =	simm.s32 $0x14100  }
0xac: {  	[tilespmem:s14], [sflag:$0x7] =	stream.indirect_vreg.gather [hbm4b:s1+s3], $0x80, v11, vm0, $0xb8;
	[tilespmem:$0x18900] =	vst v63  }
0xad: {  	s7 =	simm.s32 $0x14900  }
0xae: {  	[tilespmem:s7], [sflag:$0x7] =	stream.indirect_vreg.gather [hbm4b:s5+s3], $0x80, v11, vm0, $0xb8;
	[tilespmem:$0x18900] =	vst v63  }
0xaf: {  	s14 =	simm.s32 $0x15100  }
0xb0: {  	[tilespmem:s14], [sflag:$0x7] =	stream.indirect_vreg.gather [hbm4b:s6+s3], $0x80, v11, vm0, $0xb8;
	[tilespmem:$0x18900] =	vst v63  }
0xb1: {  	v11 =	vld [tilespmem:$0x480];
	_ =	sdelay $0x4  }
0xb2: {  	v55 =	vshrl.u32 v11, $0x3  }
0xb3: {  	v12 =	vmul.u32 $0x30, v55  }
0xb4: {  	v11 =	vand.u32 $0x7, v11  }
0xb5: {  	v11 =	vor.u32 v11, v12  }
0xb6: {  	v12 =	vperm.xlane v11, v8;
	_ =	sdelay $0x1  }
0xb7: {  	v12 =	vadd.s32 v9, v12;
	_ =	sdelay $0x3  }
0xb8: {  	v11 =	vperm.xlane v11, v10  }
0xb9: {  	[tilespmem:s4], [sflag:$0x8] =	stream.indirect_vreg.gather [hbm4b:s1+s3], $0x80, v12, vm0, $0xb8;
	[tilespmem:$0x18900] =	vst v63  }
0xba: {  	s7 =	simm.s32 $0x16100;
	v11 =	vadd.s32 v9, v11  }
0xbb: {  	[tilespmem:s7], [sflag:$0x8] =	stream.indirect_vreg.gather [hbm4b:s5+s3], $0x80, v12, vm0, $0xb8;
	[tilespmem:$0x18900] =	vst v63  }
0xbc: {  	s14 =	simm.s32 $0x16900  }
0xbd: {  	[tilespmem:s14], [sflag:$0x8] =	stream.indirect_vreg.gather [hbm4b:s6+s3], $0x80, v12, vm0, $0xb8;
	[tilespmem:$0x18900] =	vst v63  }
0xbe: {  	s7 =	simm.s32 $0x17100  }
0xbf: {  	[tilespmem:s7], [sflag:$0x8] =	stream.indirect_vreg.gather [hbm4b:s1+s3], $0x80, v11, vm0, $0xb8;
	[tilespmem:$0x18900] =	vst v63  }
0xc0: {  	s14 =	simm.s32 $0x17900  }
0xc1: {  	[tilespmem:s14], [sflag:$0x8] =	stream.indirect_vreg.gather [hbm4b:s5+s3], $0x80, v11, vm0, $0xb8;
	[tilespmem:$0x18900] =	vst v63  }
0xc2: {  	s0 =	simm.s32 $0x1;
	s7 =	simm.s32 $0x18100  }
0xc3: {  	[tilespmem:s7], [sflag:$0x8] =	stream.indirect_vreg.gather [hbm4b:s6+s3], $0x80, v11, vm0, $0xb8;
	[tilespmem:$0x18900] =	vst v63  }
0xc4: {  	_ =	swait.ge [sflag:s0], $0x3000  }
0xc5: {  	[sflag:s0] =	ssyncset.done $0x0  }
0xc6: {  	s7 =	simm.s32 $0x900;
	s14 =	rddreg [dreg:$0x14];
	[sflag:s0] =	ssyncadd.s32 $0xFFFFD000  }
0xc7: {  	[hbm4b:s14+s3] =	stream.linear.scatter [tilespmem:s7], [sflag:$0x9], $0x3000, $0x38;
	[tilespmem:$0x18900] =	vst v63  }
0xc8: {  	_ =	swait.ge [sflag:s2], $0x3000  }
0xc9: {  	[sflag:s2] =	ssyncset.done $0x0  }
0xca: {  	[sflag:s2] =	ssyncadd.s32 $0xFFFFD000  }
0xcb: {  	v11 =	vld [tilespmem:$0x500];
	_ =	sdelay $0x4  }
0xcc: {  	v56 =	vshrl.u32 v11, $0x3  }
0xcd: {  	v12 =	vmul.u32 $0x30, v56  }
0xce: {  	v11 =	vand.u32 $0x7, v11  }
0xcf: {  	v11 =	vor.u32 v11, v12  }
0xd0: {  	v12 =	vperm.xlane v11, v8;
	_ =	sdelay $0x1  }
0xd1: {  	v12 =	vadd.s32 v9, v12;
	_ =	sdelay $0x3  }
0xd2: {  	v11 =	vperm.xlane v11, v10  }
0xd3: {  	[tilespmem:s7], [sflag:$0x1] =	stream.indirect_vreg.gather [hbm4b:s1+s3], $0x80, v12, vm0, $0xb8;
	[tilespmem:$0x18900] =	vst v63  }
0xd4: {  	v11 =	vadd.s32 v9, v11  }
0xd5: {  	[tilespmem:s8], [sflag:$0x1] =	stream.indirect_vreg.gather [hbm4b:s5+s3], $0x80, v12, vm0, $0xb8;
	[tilespmem:$0x18900] =	vst v63  }
0xd6: {  	_ = 	snop  }
0xd7: {  	[tilespmem:s9], [sflag:$0x1] =	stream.indirect_vreg.gather [hbm4b:s6+s3], $0x80, v12, vm0, $0xb8;
	[tilespmem:$0x18900] =	vst v63  }
0xd8: {  	_ = 	snop  }
0xd9: {  	[tilespmem:s21], [sflag:$0x1] =	stream.indirect_vreg.gather [hbm4b:s1+s3], $0x80, v11, vm0, $0xb8;
	[tilespmem:$0x18900] =	vst v63  }
0xda: {  	_ = 	snop  }
0xdb: {  	[tilespmem:s28], [sflag:$0x1] =	stream.indirect_vreg.gather [hbm4b:s5+s3], $0x80, v11, vm0, $0xb8;
	[tilespmem:$0x18900] =	vst v63  }
0xdc: {  	s8 =	simm.s32 $0x2  }
0xdd: {  	[tilespmem:s10], [sflag:$0x1] =	stream.indirect_vreg.gather [hbm4b:s6+s3], $0x80, v11, vm0, $0xb8;
	[tilespmem:$0x18900] =	vst v63  }
0xde: {  	_ =	swait.ge [sflag:s8], $0x3000  }
0xdf: {  	[sflag:s8] =	ssyncset.done $0x0  }
0xe0: {  	s10 =	simm.s32 $0x3900;
	s9 =	rddreg [dreg:$0x5];
	[sflag:s8] =	ssyncadd.s32 $0xFFFFD000  }
0xe1: {  	[hbm4b:s9+s3] =	stream.linear.scatter [tilespmem:s10], [sflag:$0xA], $0x3000, $0x38;
	[tilespmem:$0x18900] =	vst v63  }
0xe2: {  	s9 =	simm.s32 $0xA  }
0xe3: {  	_ =	swait.ge [sflag:s9], $0x3000  }
0xe4: {  	[sflag:s9] =	ssyncset.done $0x0  }
0xe5: {  	[sflag:s9] =	ssyncadd.s32 $0xFFFFD000  }
0xe6: {  	v11 =	vld [tilespmem:$0x580];
	_ =	sdelay $0x4  }
0xe7: {  	v57 =	vshrl.u32 v11, $0x3  }
0xe8: {  	v12 =	vmul.u32 $0x30, v57  }
0xe9: {  	v11 =	vand.u32 $0x7, v11  }
0xea: {  	v11 =	vor.u32 v11, v12  }
0xeb: {  	v12 =	vperm.xlane v11, v8;
	_ =	sdelay $0x1  }
0xec: {  	v12 =	vadd.s32 v9, v12;
	_ =	sdelay $0x3  }
0xed: {  	v11 =	vperm.xlane v11, v10  }
0xee: {  	[tilespmem:s10], [sflag:$0x2] =	stream.indirect_vreg.gather [hbm4b:s1+s3], $0x80, v12, vm0, $0xb8;
	[tilespmem:$0x18900] =	vst v63  }
0xef: {  	v11 =	vadd.s32 v9, v11  }
0xf0: {  	[tilespmem:s24], [sflag:$0x2] =	stream.indirect_vreg.gather [hbm4b:s5+s3], $0x80, v12, vm0, $0xb8;
	[tilespmem:$0x18900] =	vst v63  }
0xf1: {  	_ = 	snop  }
0xf2: {  	[tilespmem:s12], [sflag:$0x2] =	stream.indirect_vreg.gather [hbm4b:s6+s3], $0x80, v12, vm0, $0xb8;
	[tilespmem:$0x18900] =	vst v63  }
0xf3: {  	_ = 	snop  }
0xf4: {  	[tilespmem:s16], [sflag:$0x2] =	stream.indirect_vreg.gather [hbm4b:s1+s3], $0x80, v11, vm0, $0xb8;
	[tilespmem:$0x18900] =	vst v63  }
0xf5: {  	_ = 	snop  }
0xf6: {  	[tilespmem:s18], [sflag:$0x2] =	stream.indirect_vreg.gather [hbm4b:s5+s3], $0x80, v11, vm0, $0xb8;
	[tilespmem:$0x18900] =	vst v63  }
0xf7: {  	s10 =	simm.s32 $0x3  }
0xf8: {  	[tilespmem:s19], [sflag:$0x2] =	stream.indirect_vreg.gather [hbm4b:s6+s3], $0x80, v11, vm0, $0xb8;
	[tilespmem:$0x18900] =	vst v63  }
0xf9: {  	_ =	swait.ge [sflag:s10], $0x3000  }
0xfa: {  	s24 =	simm.s32 $0x6900;
	[sflag:s10] =	ssyncset.done $0x0  }
0xfb: {  	s12 =	simm.s32 $0xB;
	s21 =	rddreg [dreg:$0x6];
	[sflag:s10] =	ssyncadd.s32 $0xFFFFD000  }
0xfc: {  	[hbm4b:s21+s3] =	stream.linear.scatter [tilespmem:s24], [sflag:$0xB], $0x3000, $0x38;
	[tilespmem:$0x18900] =	vst v63  }
0xfd: {  	_ =	swait.ge [sflag:s12], $0x3000  }
0xfe: {  	[sflag:s12] =	ssyncset.done $0x0  }
0xff: {  	[sflag:s12] =	ssyncadd.s32 $0xFFFFD000  }
0x100: {  	v11 =	vld [tilespmem:$0x600];
	_ =	sdelay $0x4  }
0x101: {  	v58 =	vshrl.u32 v11, $0x3  }
0x102: {  	v12 =	vmul.u32 $0x30, v58  }
0x103: {  	v11 =	vand.u32 $0x7, v11  }
0x104: {  	v11 =	vor.u32 v11, v12  }
0x105: {  	v12 =	vperm.xlane v11, v8;
	_ =	sdelay $0x1  }
0x106: {  	v12 =	vadd.s32 v9, v12;
	_ =	sdelay $0x3  }
0x107: {  	v11 =	vperm.xlane v11, v10  }
0x108: {  	[tilespmem:s24], [sflag:$0x3] =	stream.indirect_vreg.gather [hbm4b:s1+s3], $0x80, v12, vm0, $0xb8;
	[tilespmem:$0x18900] =	vst v63  }
0x109: {  	v11 =	vadd.s32 v9, v11  }
0x10a: {  	[tilespmem:s22], [sflag:$0x3] =	stream.indirect_vreg.gather [hbm4b:s5+s3], $0x80, v12, vm0, $0xb8;
	[tilespmem:$0x18900] =	vst v63  }
0x10b: {  	_ = 	snop  }
0x10c: {  	[tilespmem:s23], [sflag:$0x3] =	stream.indirect_vreg.gather [hbm4b:s6+s3], $0x80, v12, vm0, $0xb8;
	[tilespmem:$0x18900] =	vst v63  }
0x10d: {  	_ = 	snop  }
0x10e: {  	[tilespmem:s25], [sflag:$0x3] =	stream.indirect_vreg.gather [hbm4b:s1+s3], $0x80, v11, vm0, $0xb8;
	[tilespmem:$0x18900] =	vst v63  }
0x10f: {  	_ = 	snop  }
0x110: {  	[tilespmem:s26], [sflag:$0x3] =	stream.indirect_vreg.gather [hbm4b:s5+s3], $0x80, v11, vm0, $0xb8;
	[tilespmem:$0x18900] =	vst v63  }
0x111: {  	s16 =	simm.s32 $0x4  }
0x112: {  	[tilespmem:s29], [sflag:$0x3] =	stream.indirect_vreg.gather [hbm4b:s6+s3], $0x80, v11, vm0, $0xb8;
	[tilespmem:$0x18900] =	vst v63  }
0x113: {  	_ =	swait.ge [sflag:s16], $0x3000  }
0x114: {  	s18 =	simm.s32 $0xC;
	[sflag:s16] =	ssyncset.done $0x0  }
0x115: {  	s26 =	simm.s32 $0x9900;
	s25 =	rddreg [dreg:$0x7];
	[sflag:s16] =	ssyncadd.s32 $0xFFFFD000  }
0x116: {  	[hbm4b:s25+s3] =	stream.linear.scatter [tilespmem:s26], [sflag:$0xC], $0x3000, $0x38;
	[tilespmem:$0x18900] =	vst v63  }
0x117: {  	_ =	swait.ge [sflag:s18], $0x3000  }
0x118: {  	[sflag:s18] =	ssyncset.done $0x0  }
0x119: {  	[sflag:s18] =	ssyncadd.s32 $0xFFFFD000  }
0x11a: {  	v11 =	vld [tilespmem:$0x680];
	_ =	sdelay $0x4  }
0x11b: {  	v59 =	vshrl.u32 v11, $0x3  }
0x11c: {  	v12 =	vmul.u32 $0x30, v59  }
0x11d: {  	v11 =	vand.u32 $0x7, v11  }
0x11e: {  	v11 =	vor.u32 v11, v12  }
0x11f: {  	v12 =	vperm.xlane v11, v8;
	_ =	sdelay $0x1  }
0x120: {  	v12 =	vadd.s32 v9, v12;
	_ =	sdelay $0x3  }
0x121: {  	v11 =	vperm.xlane v11, v10  }
0x122: {  	[tilespmem:s26], [sflag:$0x4] =	stream.indirect_vreg.gather [hbm4b:s1+s3], $0x80, v12, vm0, $0xb8;
	[tilespmem:$0x18900] =	vst v63  }
0x123: {  	v11 =	vadd.s32 v9, v11  }
0x124: {  	[tilespmem:s31], [sflag:$0x4] =	stream.indirect_vreg.gather [hbm4b:s5+s3], $0x80, v12, vm0, $0xb8;
	[tilespmem:$0x18900] =	vst v63  }
0x125: {  	_ = 	snop  }
0x126: {  	[tilespmem:s17], [sflag:$0x4] =	stream.indirect_vreg.gather [hbm4b:s6+s3], $0x80, v12, vm0, $0xb8;
	[tilespmem:$0x18900] =	vst v63  }
0x127: {  	s19 =	simm.s32 $0xB100  }
0x128: {  	[tilespmem:s19], [sflag:$0x4] =	stream.indirect_vreg.gather [hbm4b:s1+s3], $0x80, v11, vm0, $0xb8;
	[tilespmem:$0x18900] =	vst v63  }
0x129: {  	_ = 	snop  }
0x12a: {  	[tilespmem:s20], [sflag:$0x4] =	stream.indirect_vreg.gather [hbm4b:s5+s3], $0x80, v11, vm0, $0xb8;
	[tilespmem:$0x18900] =	vst v63  }
0x12b: {  	s17 =	simm.s32 $0x5;
	s20 =	simm.s32 $0xC100  }
0x12c: {  	[tilespmem:s20], [sflag:$0x4] =	stream.indirect_vreg.gather [hbm4b:s6+s3], $0x80, v11, vm0, $0xb8;
	[tilespmem:$0x18900] =	vst v63  }
0x12d: {  	_ =	swait.ge [sflag:s17], $0x3000  }
0x12e: {  	[sflag:s17] =	ssyncset.done $0x0  }
0x12f: {  	s19 =	simm.s32 $0xD;
	s21 =	rddreg [dreg:$0x8];
	[sflag:s17] =	ssyncadd.s32 $0xFFFFD000  }
0x130: {  	[hbm4b:s21+s3] =	stream.linear.scatter [tilespmem:s15], [sflag:$0xD], $0x3000, $0x38;
	[tilespmem:$0x18900] =	vst v63  }
0x131: {  	_ =	swait.ge [sflag:s19], $0x3000  }
0x132: {  	[sflag:s19] =	ssyncset.done $0x0  }
0x133: {  	[sflag:s19] =	ssyncadd.s32 $0xFFFFD000  }
0x134: {  	v11 =	vld [tilespmem:$0x700];
	_ =	sdelay $0x4  }
0x135: {  	v60 =	vshrl.u32 v11, $0x3  }
0x136: {  	v12 =	vmul.u32 $0x30, v60  }
0x137: {  	v11 =	vand.u32 $0x7, v11  }
0x138: {  	v11 =	vor.u32 v11, v12  }
0x139: {  	v12 =	vperm.xlane v11, v8;
	_ =	sdelay $0x1  }
0x13a: {  	v12 =	vadd.s32 v9, v12;
	_ =	sdelay $0x3  }
0x13b: {  	v11 =	vperm.xlane v11, v10  }
0x13c: {  	[tilespmem:s15], [sflag:$0x5] =	stream.indirect_vreg.gather [hbm4b:s1+s3], $0x80, v12, vm0, $0xb8;
	[tilespmem:$0x18900] =	vst v63  }
0x13d: {  	s22 =	simm.s32 $0xD100;
	v11 =	vadd.s32 v9, v11  }
0x13e: {  	[tilespmem:s22], [sflag:$0x5] =	stream.indirect_vreg.gather [hbm4b:s5+s3], $0x80, v12, vm0, $0xb8;
	[tilespmem:$0x18900] =	vst v63  }
0x13f: {  	s23 =	simm.s32 $0xD900  }
0x140: {  	[tilespmem:s23], [sflag:$0x5] =	stream.indirect_vreg.gather [hbm4b:s6+s3], $0x80, v12, vm0, $0xb8;
	[tilespmem:$0x18900] =	vst v63  }
0x141: {  	s24 =	simm.s32 $0xE100  }
0x142: {  	[tilespmem:s24], [sflag:$0x5] =	stream.indirect_vreg.gather [hbm4b:s1+s3], $0x80, v11, vm0, $0xb8;
	[tilespmem:$0x18900] =	vst v63  }
0x143: {  	s25 =	simm.s32 $0xE900  }
0x144: {  	[tilespmem:s25], [sflag:$0x5] =	stream.indirect_vreg.gather [hbm4b:s5+s3], $0x80, v11, vm0, $0xb8;
	[tilespmem:$0x18900] =	vst v63  }
0x145: {  	s20 =	simm.s32 $0xF100  }
0x146: {  	[tilespmem:s20], [sflag:$0x5] =	stream.indirect_vreg.gather [hbm4b:s6+s3], $0x80, v11, vm0, $0xb8;
	[tilespmem:$0x18900] =	vst v63  }
0x147: {  	s20 =	simm.s32 $0x6  }
0x148: {  	_ =	swait.ge [sflag:s20], $0x3000  }
0x149: {  	[sflag:s20] =	ssyncset.done $0x0  }
0x14a: {  	s21 =	rddreg [dreg:$0x9];
	[sflag:s20] =	ssyncadd.s32 $0xFFFFD000  }
0x14b: {  	[hbm4b:s21+s3] =	stream.linear.scatter [tilespmem:s13], [sflag:$0xE], $0x3000, $0x38;
	[tilespmem:$0x18900] =	vst v63  }
0x14c: {  	s21 =	simm.s32 $0xE  }
0x14d: {  	_ =	swait.ge [sflag:s21], $0x3000  }
0x14e: {  	[sflag:s21] =	ssyncset.done $0x0  }
0x14f: {  	[sflag:s21] =	ssyncadd.s32 $0xFFFFD000  }
0x150: {  	v11 =	vld [tilespmem:$0x780];
	_ =	sdelay $0x4  }
0x151: {  	v61 =	vshrl.u32 v11, $0x3  }
0x152: {  	v12 =	vmul.u32 $0x30, v61  }
0x153: {  	v11 =	vand.u32 $0x7, v11  }
0x154: {  	v11 =	vor.u32 v11, v12  }
0x155: {  	v12 =	vperm.xlane v11, v8;
	_ =	sdelay $0x1  }
0x156: {  	v12 =	vadd.s32 v9, v12;
	_ =	sdelay $0x3  }
0x157: {  	v11 =	vperm.xlane v11, v10  }
0x158: {  	[tilespmem:s13], [sflag:$0x6] =	stream.indirect_vreg.gather [hbm4b:s1+s3], $0x80, v12, vm0, $0xb8;
	[tilespmem:$0x18900] =	vst v63  }
0x159: {  	s22 =	simm.s32 $0x10100;
	v11 =	vadd.s32 v9, v11  }
0x15a: {  	[tilespmem:s22], [sflag:$0x6] =	stream.indirect_vreg.gather [hbm4b:s5+s3], $0x80, v12, vm0, $0xb8;
	[tilespmem:$0x18900] =	vst v63  }
0x15b: {  	s23 =	simm.s32 $0x10900  }
0x15c: {  	[tilespmem:s23], [sflag:$0x6] =	stream.indirect_vreg.gather [hbm4b:s6+s3], $0x80, v12, vm0, $0xb8;
	[tilespmem:$0x18900] =	vst v63  }
0x15d: {  	s24 =	simm.s32 $0x11100  }
0x15e: {  	[tilespmem:s24], [sflag:$0x6] =	stream.indirect_vreg.gather [hbm4b:s1+s3], $0x80, v11, vm0, $0xb8;
	[tilespmem:$0x18900] =	vst v63  }
0x15f: {  	s25 =	simm.s32 $0x11900  }
0x160: {  	[tilespmem:s25], [sflag:$0x6] =	stream.indirect_vreg.gather [hbm4b:s5+s3], $0x80, v11, vm0, $0xb8;
	[tilespmem:$0x18900] =	vst v63  }
0x161: {  	s22 =	simm.s32 $0x12100  }
0x162: {  	[tilespmem:s22], [sflag:$0x6] =	stream.indirect_vreg.gather [hbm4b:s6+s3], $0x80, v11, vm0, $0xb8;
	[tilespmem:$0x18900] =	vst v63  }
0x163: {  	s22 =	simm.s32 $0x7  }
0x164: {  	_ =	swait.ge [sflag:s22], $0x3000  }
0x165: {  	[sflag:s22] =	ssyncset.done $0x0  }
0x166: {  	s23 =	rddreg [dreg:$0xa];
	[sflag:s22] =	ssyncadd.s32 $0xFFFFD000  }
0x167: {  	[hbm4b:s23+s3] =	stream.linear.scatter [tilespmem:s11], [sflag:$0xF], $0x3000, $0x38;
	[tilespmem:$0x18900] =	vst v63  }
0x168: {  	s23 =	simm.s32 $0xF  }
0x169: {  	_ =	swait.ge [sflag:s23], $0x3000  }
0x16a: {  	[sflag:s23] =	ssyncset.done $0x0  }
0x16b: {  	[sflag:s23] =	ssyncadd.s32 $0xFFFFD000  }
0x16c: {  	v11 =	vld [tilespmem:$0x800];
	_ =	sdelay $0x4  }
0x16d: {  	v62 =	vshrl.u32 v11, $0x3  }
0x16e: {  	v12 =	vmul.u32 $0x30, v62  }
0x16f: {  	v11 =	vand.u32 $0x7, v11  }
0x170: {  	v11 =	vor.u32 v11, v12  }
0x171: {  	v12 =	vperm.xlane v11, v8;
	_ =	sdelay $0x1  }
0x172: {  	v12 =	vadd.s32 v9, v12;
	_ =	sdelay $0x3  }
0x173: {  	v11 =	vperm.xlane v11, v10  }
0x174: {  	[tilespmem:s11], [sflag:$0x7] =	stream.indirect_vreg.gather [hbm4b:s1+s3], $0x80, v12, vm0, $0xb8;
	[tilespmem:$0x18900] =	vst v63  }
0x175: {  	s24 =	simm.s32 $0x13100;
	v11 =	vadd.s32 v9, v11  }
0x176: {  	[tilespmem:s24], [sflag:$0x7] =	stream.indirect_vreg.gather [hbm4b:s5+s3], $0x80, v12, vm0, $0xb8;
	[tilespmem:$0x18900] =	vst v63  }
0x177: {  	s25 =	simm.s32 $0x13900  }
0x178: {  	[tilespmem:s25], [sflag:$0x7] =	stream.indirect_vreg.gather [hbm4b:s6+s3], $0x80, v12, vm0, $0xb8;
	[tilespmem:$0x18900] =	vst v63  }
0x179: {  	s24 =	simm.s32 $0x14100  }
0x17a: {  	[tilespmem:s24], [sflag:$0x7] =	stream.indirect_vreg.gather [hbm4b:s1+s3], $0x80, v11, vm0, $0xb8;
	[tilespmem:$0x18900] =	vst v63  }
0x17b: {  	s25 =	simm.s32 $0x14900  }
0x17c: {  	[tilespmem:s25], [sflag:$0x7] =	stream.indirect_vreg.gather [hbm4b:s5+s3], $0x80, v11, vm0, $0xb8;
	[tilespmem:$0x18900] =	vst v63  }
0x17d: {  	s24 =	simm.s32 $0x15100  }
0x17e: {  	[tilespmem:s24], [sflag:$0x7] =	stream.indirect_vreg.gather [hbm4b:s6+s3], $0x80, v11, vm0, $0xb8;
	[tilespmem:$0x18900] =	vst v63  }
0x17f: {  	s24 =	simm.s32 $0x8  }
0x180: {  	_ =	swait.ge [sflag:s24], $0x3000  }
0x181: {  	[sflag:s24] =	ssyncset.done $0x0  }
0x182: {  	s25 =	rddreg [dreg:$0xb];
	[sflag:s24] =	ssyncadd.s32 $0xFFFFD000  }
0x183: {  	[hbm4b:s25+s3] =	stream.linear.scatter [tilespmem:s4], [sflag:$0x10], $0x3000, $0x38;
	[tilespmem:$0x18900] =	vst v63  }
0x184: {  	s25 =	simm.s32 $0x10  }
0x185: {  	_ =	swait.ge [sflag:s25], $0x3000  }
0x186: {  	[sflag:s25] =	ssyncset.done $0x0  }
0x187: {  	[sflag:s25] =	ssyncadd.s32 $0xFFFFD000  }
0x188: {  	v11 =	vld [tilespmem:$0x880];
	_ =	sdelay $0x4  }
0x189: {  	v63 =	vshrl.u32 v11, $0x3  }
0x18a: {  	v12 =	vmul.u32 $0x30, v63  }
0x18b: {  	v11 =	vand.u32 $0x7, v11  }
0x18c: {  	v11 =	vor.u32 v11, v12  }
0x18d: {  	v12 =	vperm.xlane v11, v8;
	_ =	sdelay $0x1  }
0x18e: {  	v12 =	vadd.s32 v9, v12;
	_ =	sdelay $0x3  }
0x18f: {  	v11 =	vperm.xlane v11, v10  }
0x190: {  	[tilespmem:s4], [sflag:$0x8] =	stream.indirect_vreg.gather [hbm4b:s1+s3], $0x80, v12, vm0, $0xb8;
	[tilespmem:$0x18900] =	vst v63  }
0x191: {  	s14 =	simm.s32 $0x16100;
	v11 =	vadd.s32 v9, v11  }
0x192: {  	[tilespmem:s14], [sflag:$0x8] =	stream.indirect_vreg.gather [hbm4b:s5+s3], $0x80, v12, vm0, $0xb8;
	[tilespmem:$0x18900] =	vst v63  }
0x193: {  	s14 =	simm.s32 $0x16900  }
0x194: {  	[tilespmem:s14], [sflag:$0x8] =	stream.indirect_vreg.gather [hbm4b:s6+s3], $0x80, v12, vm0, $0xb8;
	[tilespmem:$0x18900] =	vst v63  }
0x195: {  	s14 =	simm.s32 $0x17100  }
0x196: {  	[tilespmem:s14], [sflag:$0x8] =	stream.indirect_vreg.gather [hbm4b:s1+s3], $0x80, v11, vm0, $0xb8;
	[tilespmem:$0x18900] =	vst v63  }
0x197: {  	s14 =	simm.s32 $0x17900  }
0x198: {  	[tilespmem:s14], [sflag:$0x8] =	stream.indirect_vreg.gather [hbm4b:s5+s3], $0x80, v11, vm0, $0xb8;
	[tilespmem:$0x18900] =	vst v63  }
0x199: {  	s14 =	simm.s32 $0x18100  }
0x19a: {  	[tilespmem:s14], [sflag:$0x8] =	stream.indirect_vreg.gather [hbm4b:s6+s3], $0x80, v11, vm0, $0xb8;
	[tilespmem:$0x18900] =	vst v63  }
0x19b: {  	_ =	swait.ge [sflag:s0], $0x3000  }
0x19c: {  	[sflag:s0] =	ssyncset.done $0x0  }
0x19d: {  	s14 =	rddreg [dreg:$0xc];
	[sflag:s0] =	ssyncadd.s32 $0xFFFFD000;
	s0 =	simm.s32 $0x900  }
0x19e: {  	[hbm4b:s14+s3] =	stream.linear.scatter [tilespmem:s0], [sflag:$0x9], $0x3000, $0x38;
	[tilespmem:$0x18900] =	vst v63  }
0x19f: {  	_ =	swait.ge [sflag:s8], $0x3000  }
0x1a0: {  	[sflag:s8] =	ssyncset.done $0x0  }
0x1a1: {  	s7 =	simm.s32 $0x3900;
	s0 =	rddreg [dreg:$0xd];
	[sflag:s8] =	ssyncadd.s32 $0xFFFFD000  }
0x1a2: {  	[hbm4b:s0+s3] =	stream.linear.scatter [tilespmem:s7], [sflag:$0xA], $0x3000, $0x38;
	[tilespmem:$0x18900] =	vst v63  }
0x1a3: {  	_ =	swait.ge [sflag:s10], $0x3000  }
0x1a4: {  	[sflag:s10] =	ssyncset.done $0x0  }
0x1a5: {  	s28 =	simm.s32 $0x6900;
	s8 =	rddreg [dreg:$0xe];
	[sflag:s10] =	ssyncadd.s32 $0xFFFFD000  }
0x1a6: {  	[hbm4b:s8+s3] =	stream.linear.scatter [tilespmem:s28], [sflag:$0xB], $0x3000, $0x38;
	[tilespmem:$0x18900] =	vst v63  }
0x1a7: {  	_ =	swait.ge [sflag:s16], $0x3000  }
0x1a8: {  	[sflag:s16] =	ssyncset.done $0x0  }
0x1a9: {  	s26 =	simm.s32 $0x9900;
	s10 =	rddreg [dreg:$0xf];
	[sflag:s16] =	ssyncadd.s32 $0xFFFFD000  }
0x1aa: {  	[hbm4b:s10+s3] =	stream.linear.scatter [tilespmem:s26], [sflag:$0xC], $0x3000, $0x38;
	[tilespmem:$0x18900] =	vst v63  }
0x1ab: {  	_ =	swait.ge [sflag:s17], $0x3000  }
0x1ac: {  	[sflag:s17] =	ssyncset.done $0x0  }
0x1ad: {  	s16 =	rddreg [dreg:$0x10];
	[sflag:s17] =	ssyncadd.s32 $0xFFFFD000  }
0x1ae: {  	[hbm4b:s16+s3] =	stream.linear.scatter [tilespmem:s15], [sflag:$0xD], $0x3000, $0x38;
	[tilespmem:$0x18900] =	vst v63  }
0x1af: {  	_ =	swait.ge [sflag:s20], $0x3000  }
0x1b0: {  	[sflag:s20] =	ssyncset.done $0x0  }
0x1b1: {  	s17 =	rddreg [dreg:$0x11];
	[sflag:s20] =	ssyncadd.s32 $0xFFFFD000  }
0x1b2: {  	[hbm4b:s17+s3] =	stream.linear.scatter [tilespmem:s13], [sflag:$0xE], $0x3000, $0x38;
	[tilespmem:$0x18900] =	vst v63  }
0x1b3: {  	_ =	swait.ge [sflag:s22], $0x3000  }
0x1b4: {  	[sflag:s22] =	ssyncset.done $0x0  }
0x1b5: {  	s26 =	rddreg [dreg:$0x12];
	[sflag:s22] =	ssyncadd.s32 $0xFFFFD000  }
0x1b6: {  	[hbm4b:s26+s3] =	stream.linear.scatter [tilespmem:s11], [sflag:$0xF], $0x3000, $0x38;
	[tilespmem:$0x18900] =	vst v63  }
0x1b7: {  	_ =	swait.ge [sflag:s24], $0x3000  }
0x1b8: {  	[sflag:s24] =	ssyncset.done $0x0  }
0x1b9: {  	s28 =	rddreg [dreg:$0x13];
	[sflag:s24] =	ssyncadd.s32 $0xFFFFD000  }
0x1ba: {  	[hbm4b:s28+s3] =	stream.linear.scatter [tilespmem:s4], [sflag:$0x10], $0x3000, $0x38;
	[tilespmem:$0x18900] =	vst v63  }
0x1bb: {  	_ =	swait.ge [sflag:s2], $0x3000  }
0x1bc: {  	[sflag:s2] =	ssyncset.done $0x0  }
0x1bd: {  	[sflag:s2] =	ssyncadd.s32 $0xFFFFD000  }
0x1be: {  	_ =	swait.ge [sflag:s9], $0x3000  }
0x1bf: {  	[sflag:s9] =	ssyncset.done $0x0  }
0x1c0: {  	[sflag:s9] =	ssyncadd.s32 $0xFFFFD000  }
0x1c1: {  	_ =	swait.ge [sflag:s12], $0x3000  }
0x1c2: {  	[sflag:s12] =	ssyncset.done $0x0  }
0x1c3: {  	[sflag:s12] =	ssyncadd.s32 $0xFFFFD000  }
0x1c4: {  	_ =	swait.ge [sflag:s18], $0x3000  }
0x1c5: {  	[sflag:s18] =	ssyncset.done $0x0  }
0x1c6: {  	[sflag:s18] =	ssyncadd.s32 $0xFFFFD000  }
0x1c7: {  	_ =	swait.ge [sflag:s19], $0x3000  }
0x1c8: {  	[sflag:s19] =	ssyncset.done $0x0  }
0x1c9: {  	[sflag:s19] =	ssyncadd.s32 $0xFFFFD000  }
0x1ca: {  	_ =	swait.ge [sflag:s21], $0x3000  }
0x1cb: {  	[sflag:s21] =	ssyncset.done $0x0  }
0x1cc: {  	[sflag:s21] =	ssyncadd.s32 $0xFFFFD000  }
0x1cd: {  	p0 =	sne.s32 s30, $0x1;
	_ =	swait.ge [sflag:s23], $0x3000  }
.Ltmp0:
0x1ce: {  	[sflag:s23] =	ssyncset.done $0x0;
	(pc) =	sbr.rel @p0 .LBB2_1-.Ltmp0, $4  }
0x1cf: {  	[sflag:s23] =	ssyncadd.s32 $0xFFFFD000  }
0x1d0: {  	_ =	swait.ge [sflag:s25], $0x3000  }
0x1d1: {  	[sflag:s25] =	ssyncset.done $0x0  }
0x1d2: {  	s30 =	sadd.s32 $0xFFFFFFFF, s30;
	[sflag:s25] =	ssyncadd.s32 $0xFFFFD000  }
0x1d3: {  	_ =	sfence.sel $0x180000  }
0x1d4: {  	[bflag:$0x0] =	sbarrier.arrive $0xFFFF  }
0x1d5: {  	_ =	strace $0x90000047  }
0x1d6: {  	s0 =	stileid.u32;
	[bflag:$0x2] =	sbarrier.arrive $0xFFFF  }
0x1d7: {  	p0 =	sne.s32 s0, $0x0;
	s0 =	rddreg [dreg:$0x3]  }
0x1d8: {  	s0 =	sadd.s32 @!p0 $0x100000, s0  }
0x1d9: {  	[sflag:s0] =	ssyncadd.tile.s32 @!p0 $0x1;
	_ =	shalt  }
.Lfunc_end2:
_tile_overlayer_lowered:
.L_overlay_start_2:
0x1da: {  	(tag) =	ssettag $0x2  }
0x1db: {  	s0 =	rddreg [dreg:$0x0];
	s2 =	stileid.u32  }
0x1dc: {  	s1 =	rddreg [dreg:$0x1];
	p0 =	sne.s32 s2, $0x0  }
0x1dd: {  	s3 =	rddreg [dreg:$0x2];
	[bflag:$0x3] =	sbarrier.arrive $0xFFFF;
	s2 =	simm.s32 @!p0 $0x1C11  }
0x1de: {  	[timem:s3], [sflag:s2] =	dma.local @!p0 [hbm:s0], s1  }
0x1df: {  	s0 =	simm.s32 @!p0 $0x11  }
0x1e0: {  	_ =	swait.ge @!p0 [sflag:s0], s1  }
0x1e1: {  	s1 =	ssub.s32 @!p0 $0x0, s1;
	[sflag:s0] =	ssyncset.done @!p0 $0x0  }
0x1e2: {  	[sflag:s0] =	ssyncadd.s32 @!p0 s1  }
0x1e3: {  	[bflag:$0x3] =	sbarrier.arrive $0xFFFF  }
0x1e4: {  	_ =	shalt  }

</sc_bundles>
